<compile_context>
chip_gen: v7x
topology: tpu7x:2x2x1
jax: 0.10.2.dev20260603
libtpu: 0.0.44.dev20260713+nightly
codegen_flags: <defaults>
</compile_context>

<pallas_src>
import jax
import jax.numpy as jnp
from jax import lax
from jax.experimental import pallas as pl
from jax.experimental.pallas import tpu as pltpu
from jax.experimental.pallas import tpu_sc as plsc

F = 26
V = 100000
D = 32
B = 16384

NC = 2
NS = 16
NW = NC * NS
NTASK = F * D
TPW = NTASK // NW
GCH = 4096
NG = B // GCH
L = 16


def _embed_body(tab_hbm, cx_hbm, out_hbm, row_v, idx_v, out_a, out_b, sem_a, sem_b):
    wid = lax.axis_index("s") * NC + lax.axis_index("c")
    base = wid * TPW

    def gather_chunk(g, out_v):
        @plsc.parallel_loop(0, GCH // L, unroll=8)
        def grp(j):
            vec = idx_v[pl.ds(g * GCH + j * L, L)]
            out_v[pl.ds(j * L, L)] = plsc.load_gather(row_v, [vec])

    def chunks(f, d, drain_from):
        for g in range(NG):
            buf, sem = (out_a, sem_a) if g % 2 == 0 else (out_b, sem_b)
            dst = out_hbm.at[f, d, pl.ds(g * GCH, GCH)]
            if g >= drain_from:
                pltpu.make_async_copy(dst, buf, sem).wait()
            gather_chunk(g, buf)
            pltpu.async_copy(buf, dst, sem)

    f0 = base // D
    d0 = base % D
    pltpu.sync_copy(cx_hbm.at[f0], idx_v)
    pltpu.sync_copy(tab_hbm.at[f0, d0], row_v)
    chunks(f0, d0, drain_from=2)

    def task(t, carry):
        tid = base + t
        f = tid // D
        d = tid % D
        pltpu.sync_copy(tab_hbm.at[f, d], row_v)
        @pl.when(d == 0)
        def _():
            pltpu.sync_copy(cx_hbm.at[f], idx_v)

        chunks(f, d, drain_from=0)
        return carry

    lax.fori_loop(1, TPW, task, 0)
    pltpu.make_async_copy(out_hbm.at[f0, d0, pl.ds(0, GCH)], out_a, sem_a).wait()
    pltpu.make_async_copy(out_hbm.at[f0, d0, pl.ds(GCH, GCH)], out_b, sem_b).wait()


@jax.jit
def kernel(cx, tables):
    cx_t = cx.T.astype(jnp.int32)
    tab_t = jnp.transpose(tables, (0, 2, 1))
    run = pl.kernel(
        _embed_body,
        out_type=jax.ShapeDtypeStruct((F, D, B), jnp.float32),
        mesh=plsc.VectorSubcoreMesh(core_axis_name="c", subcore_axis_name="s"),
        scratch_types=[
            pltpu.VMEM((V,), jnp.float32),
            pltpu.VMEM((B,), jnp.int32),
            pltpu.VMEM((GCH,), jnp.float32),
            pltpu.VMEM((GCH,), jnp.float32),
            pltpu.SemaphoreType.DMA,
            pltpu.SemaphoreType.DMA,
        ],
        compiler_params=pltpu.CompilerParams(use_tc_tiling_on_sc=True, needs_layout_passes=False),
    )
    out_t = run(tab_t, cx_t)
    return jnp.transpose(out_t, (2, 0, 1))

# --- scband reference (transcript-rebuilt; emitter-appended) ---
"""Pipeline reference for scband-embedder-34419867910288 (READ-ONLY COPY).

The authoritative reference and input builder live on the scoring server;
editing this copy changes nothing except your own understanding.
"""

import jax, jax.numpy as jnp
import numpy as np

NUM_FIELDS = 26
VOCAB = 100000
EMBED_DIM = 32
BATCH = 16384


def setup_inputs(seed: int = 0) -> dict:
    key = jax.random.key(seed)
    k_idx, k_tab = jax.random.split(key)
    cx = jax.random.randint(k_idx, (BATCH, NUM_FIELDS), 0, VOCAB, dtype=jnp.int64 if jax.config.jax_enable_x64 else jnp.int32)
    # One embedding table per categorical field; all fields share cardinality here,
    # so stack them into a single [F, V, d] tensor of parameters.
    tables = jax.random.normal(k_tab, (NUM_FIELDS, VOCAB, EMBED_DIM), dtype=jnp.float32)
    return {"cx": cx, "tables": tables}


def reference(cx, tables):
    # torch: torch.stack([emb(cx[:, i]) for i, emb in enumerate(self.cat_emb)], 1)
    cat_vecs = jnp.stack(
        [jnp.take(tables[i], cx[:, i], axis=0) for i in range(NUM_FIELDS)],
        axis=1,
    )  # [B, F, d]
    return cat_vecs

if __name__ == "__main__":
    import jax
    _d = setup_inputs()
    print(jax.jit(kernel)(*tuple(_d.values())))

</pallas_src>

<mosaic_0001>
#map = affine_map<(d0, d1) -> (0, 0, 0)>
#map1 = affine_map<(d0, d1) -> (0, 0)>
module attributes {stable_mosaic.version = 14 : i64} {
  func.func @_embed_body(%arg0: i32, %arg1: i32, %arg2: memref<26x32x100000xf32, #tpu.memory_space<hbm>>, %arg3: memref<26x16384xi32, #tpu.memory_space<hbm>>, %arg4: memref<26x32x16384xf32, #tpu.memory_space<hbm>>, %arg5: memref<100000xf32, #tpu.memory_space<vmem>>, %arg6: memref<16384xi32, #tpu.memory_space<vmem>>, %arg7: memref<4096xf32, #tpu.memory_space<vmem>>, %arg8: memref<4096xf32, #tpu.memory_space<vmem>>, %arg9: memref<!tpu.dma_semaphore, #tpu.memory_space<semaphore_mem>>, %arg10: memref<!tpu.dma_semaphore, #tpu.memory_space<semaphore_mem>>) attributes {dimension_semantics = [#tpu.dimension_semantics<core_parallel>, #tpu.dimension_semantics<subcore_parallel>], iteration_bounds = array<i64: 2, 16>, scalar_prefetch = 0 : i64, scratch_operands = 6 : i64, tpu.core_type = #tpu.core_type<sc_vector_subcore>, window_params = [{transform_indices = #map}, {transform_indices = #map1}, {transform_indices = #map}]} {
    %mul3A = arith.constant 2 : i32
    %mul3A_0 = arith.muli %arg1, %mul3A : i32
    %add3A = arith.addi %mul3A_0, %arg0 : i32
    %mul3A_1 = arith.constant 26 : i32
    %mul3A_2 = arith.muli %add3A, %mul3A_1 : i32
    %jit3A = arith.constant 32 : i32
    %div3A = arith.divsi %mul3A_2, %jit3A : i32
    %sign3A = arith.constant 0 : i32
    %sign3A_3 = arith.cmpi sgt, %mul3A_2, %sign3A : i32
    %sign3A_4 = arith.extui %sign3A_3 : i1 to i32
    %sign3A_5 = arith.constant 0 : i32
    %sign3A_6 = arith.cmpi slt, %mul3A_2, %sign3A_5 : i32
    %sign3A_7 = arith.extui %sign3A_6 : i1 to i32
    %sign3A_8 = arith.subi %sign3A_4, %sign3A_7 : i32
    %sign3A_9 = arith.constant 0 : i32
    %sign3A_10 = arith.cmpi sgt, %jit3A, %sign3A_9 : i32
    %sign3A_11 = arith.extui %sign3A_10 : i1 to i32
    %sign3A_12 = arith.constant 0 : i32
    %sign3A_13 = arith.cmpi slt, %jit3A, %sign3A_12 : i32
    %sign3A_14 = arith.extui %sign3A_13 : i1 to i32
    %sign3A_15 = arith.subi %sign3A_11, %sign3A_14 : i32
    %ne3A = arith.cmpi ne, %sign3A_8, %sign3A_15 : i32
    %rem3A = arith.remsi %mul3A_2, %jit3A : i32
    %ne3A_16 = arith.constant 0 : i32
    %ne3A_17 = arith.cmpi ne, %rem3A, %ne3A_16 : i32
    %and3A = arith.andi %ne3A, %ne3A_17 : i1
    %sub3A = arith.constant 1 : i32
    %sub3A_18 = arith.subi %div3A, %sub3A : i32
    %select_n3A = arith.select %and3A, %sub3A_18, %div3A : i32
    %jit3A_19 = arith.constant 32 : i32
    %eq3A = arith.constant 0 : i32
    %eq3A_20 = arith.cmpi eq, %jit3A_19, %eq3A : i32
    %jit3A_21 = arith.constant 1 : i32
    %select_n3A_22 = arith.select %eq3A_20, %jit3A_21, %jit3A_19 : i32
    %rem3A_23 = arith.remsi %mul3A_2, %select_n3A_22 : i32
    %ne3A_24 = arith.constant 0 : i32
    %ne3A_25 = arith.cmpi ne, %rem3A_23, %ne3A_24 : i32
    %lt3A = arith.constant 0 : i32
    %lt3A_26 = arith.cmpi slt, %rem3A_23, %lt3A : i32
    %lt3A_27 = arith.constant 0 : i32
    %lt3A_28 = arith.cmpi slt, %select_n3A_22, %lt3A_27 : i32
    %ne3A_29 = arith.xori %lt3A_26, %lt3A_28 : i1
    %and3A_30 = arith.andi %ne3A_29, %ne3A_25 : i1
    %add3A_31 = arith.addi %rem3A_23, %select_n3A_22 : i32
    %select_n3A_32 = arith.select %and3A_30, %add3A_31, %rem3A_23 : i32
    "tpu.region"() ({
      %run_scoped3A = tpu.sem_alloc : memref<!tpu.dma_semaphore, #tpu.memory_space<semaphore_mem>>
      %dma_start3A_95 = arith.constant 0 : i32
      %dma_start3A_96 = tpu.memref_slice %arg3[%select_n3A, %dma_start3A_95] : memref<26x16384xi32, #tpu.memory_space<hbm>> -> memref<1x16384xi32, #tpu.memory_space<hbm>>
      %dma_start3A_97 = tpu.memref_squeeze %dma_start3A_96 : memref<1x16384xi32, #tpu.memory_space<hbm>> -> memref<16384xi32, #tpu.memory_space<hbm>>
      %dma_start3A_98 = arith.constant 0 : i32
      %dma_start3A_99 = tpu.memref_slice %arg3[%select_n3A, %dma_start3A_98] : memref<26x16384xi32, #tpu.memory_space<hbm>> -> memref<1x16384xi32, #tpu.memory_space<hbm>>
      %dma_start3A_100 = tpu.memref_squeeze %dma_start3A_99 : memref<1x16384xi32, #tpu.memory_space<hbm>> -> memref<16384xi32, #tpu.memory_space<hbm>>
      tpu.enqueue_dma source(%dma_start3A_100 : memref<16384xi32, #tpu.memory_space<hbm>>) target(%arg6 : memref<16384xi32, #tpu.memory_space<vmem>>) target_semaphore(%run_scoped3A : memref<!tpu.dma_semaphore, #tpu.memory_space<semaphore_mem>>)
      %dma_wait3A_101 = arith.constant 0 : i32
      %dma_wait3A_102 = tpu.memref_slice %arg3[%select_n3A, %dma_wait3A_101] : memref<26x16384xi32, #tpu.memory_space<hbm>> -> memref<1x16384xi32, #tpu.memory_space<hbm>>
      %dma_wait3A_103 = tpu.memref_squeeze %dma_wait3A_102 : memref<1x16384xi32, #tpu.memory_space<hbm>> -> memref<16384xi32, #tpu.memory_space<hbm>>
      %dma_wait3A_104 = arith.constant 0 : i32
      %dma_wait3A_105 = tpu.memref_slice %arg3[%select_n3A, %dma_wait3A_104] : memref<26x16384xi32, #tpu.memory_space<hbm>> -> memref<1x16384xi32, #tpu.memory_space<hbm>>
      %dma_wait3A_106 = tpu.memref_squeeze %dma_wait3A_105 : memref<1x16384xi32, #tpu.memory_space<hbm>> -> memref<16384xi32, #tpu.memory_space<hbm>>
      tpu.wait_dma2 semaphore(%run_scoped3A : memref<!tpu.dma_semaphore, #tpu.memory_space<semaphore_mem>>) src(%dma_wait3A_106 : memref<16384xi32, #tpu.memory_space<hbm>>) dst(%arg6 : memref<16384xi32, #tpu.memory_space<vmem>>)
      tpu.yield
    }) : () -> ()
    "tpu.region"() ({
      %run_scoped3A = tpu.sem_alloc : memref<!tpu.dma_semaphore, #tpu.memory_space<semaphore_mem>>
      %dma_start3A_95 = arith.constant 0 : i32
      %dma_start3A_96 = tpu.memref_slice %arg2[%select_n3A, %select_n3A_32, %dma_start3A_95] : memref<26x32x100000xf32, #tpu.memory_space<hbm>> -> memref<1x1x100000xf32, #tpu.memory_space<hbm>>
      %dma_start3A_97 = tpu.memref_squeeze %dma_start3A_96 : memref<1x1x100000xf32, #tpu.memory_space<hbm>> -> memref<100000xf32, #tpu.memory_space<hbm>>
      %dma_start3A_98 = arith.constant 0 : i32
      %dma_start3A_99 = tpu.memref_slice %arg2[%select_n3A, %select_n3A_32, %dma_start3A_98] : memref<26x32x100000xf32, #tpu.memory_space<hbm>> -> memref<1x1x100000xf32, #tpu.memory_space<hbm>>
      %dma_start3A_100 = tpu.memref_squeeze %dma_start3A_99 : memref<1x1x100000xf32, #tpu.memory_space<hbm>> -> memref<100000xf32, #tpu.memory_space<hbm>>
      tpu.enqueue_dma source(%dma_start3A_100 : memref<100000xf32, #tpu.memory_space<hbm>>) target(%arg5 : memref<100000xf32, #tpu.memory_space<vmem>>) target_semaphore(%run_scoped3A : memref<!tpu.dma_semaphore, #tpu.memory_space<semaphore_mem>>)
      %dma_wait3A_101 = arith.constant 0 : i32
      %dma_wait3A_102 = tpu.memref_slice %arg2[%select_n3A, %select_n3A_32, %dma_wait3A_101] : memref<26x32x100000xf32, #tpu.memory_space<hbm>> -> memref<1x1x100000xf32, #tpu.memory_space<hbm>>
      %dma_wait3A_103 = tpu.memref_squeeze %dma_wait3A_102 : memref<1x1x100000xf32, #tpu.memory_space<hbm>> -> memref<100000xf32, #tpu.memory_space<hbm>>
      %dma_wait3A_104 = arith.constant 0 : i32
      %dma_wait3A_105 = tpu.memref_slice %arg2[%select_n3A, %select_n3A_32, %dma_wait3A_104] : memref<26x32x100000xf32, #tpu.memory_space<hbm>> -> memref<1x1x100000xf32, #tpu.memory_space<hbm>>
      %dma_wait3A_106 = tpu.memref_squeeze %dma_wait3A_105 : memref<1x1x100000xf32, #tpu.memory_space<hbm>> -> memref<100000xf32, #tpu.memory_space<hbm>>
      tpu.wait_dma2 semaphore(%run_scoped3A : memref<!tpu.dma_semaphore, #tpu.memory_space<semaphore_mem>>) src(%dma_wait3A_106 : memref<100000xf32, #tpu.memory_space<hbm>>) dst(%arg5 : memref<100000xf32, #tpu.memory_space<vmem>>)
      tpu.yield
    }) : () -> ()
    %parallel_loop3A = arith.constant 0 : i32
    %parallel_loop3A_33 = arith.constant 256 : i32
    %parallel_loop3A_34 = arith.constant 1 : i32
    scf.for %parallel_loop3A_95 = %parallel_loop3A to %parallel_loop3A_33 step %parallel_loop3A_34  : i32 {
      %parallel_loop3A_96 = arith.constant 16 : i32
      %parallel_loop3A_97 = arith.muli %parallel_loop3A_95, %parallel_loop3A_96 : i32
      %parallel_loop3A_98 = arith.constant 0 : i32
      %parallel_loop3A_99 = arith.addi %parallel_loop3A_98, %parallel_loop3A_97 : i32
      %parallel_loop3A_100 = arith.index_cast %parallel_loop3A_99 : i32 to index
      %parallel_loop3A_101 = tpu.vector_load %arg6[%parallel_loop3A_100] {strides = array<i32>} : memref<16384xi32, #tpu.memory_space<vmem>>, vector<16xi32>,
      %parallel_loop3A_102 = tpu.vector_load_idx %arg5[%parallel_loop3A_101] : memref<100000xf32, #tpu.memory_space<vmem>>[vector<16xi32>], vector<16xf32>,
      %parallel_loop3A_103 = arith.constant 16 : i32
      %parallel_loop3A_104 = arith.muli %parallel_loop3A_95, %parallel_loop3A_103 : i32
      %parallel_loop3A_105 = arith.index_cast %parallel_loop3A_104 : i32 to index
      %parallel_loop3A_106 = tpu.vector_load %arg7[%parallel_loop3A_105] {strides = array<i32>} : memref<4096xf32, #tpu.memory_space<vmem>>, vector<16xf32>,
      tpu.vector_store %arg7[%parallel_loop3A_105], %parallel_loop3A_102 {strides = array<i32>} : memref<4096xf32, #tpu.memory_space<vmem>>, vector<16xf32>,
    } {sc.loop_unroll_factor = 8 : i64, sc.parallel_access}
    %dma_start3A = arith.constant 0 : i32
    %dma_start3A_35 = tpu.memref_slice %arg4[%select_n3A, %select_n3A_32, %dma_start3A] : memref<26x32x16384xf32, #tpu.memory_space<hbm>> -> memref<1x1x4096xf32, #tpu.memory_space<hbm>>
    %dma_start3A_36 = tpu.memref_squeeze %dma_start3A_35 : memref<1x1x4096xf32, #tpu.memory_space<hbm>> -> memref<4096xf32, #tpu.memory_space<hbm>>
    %dma_start3A_37 = arith.constant 0 : i32
    %dma_start3A_38 = tpu.memref_slice %arg4[%select_n3A, %select_n3A_32, %dma_start3A_37] : memref<26x32x16384xf32, #tpu.memory_space<hbm>> -> memref<1x1x4096xf32, #tpu.memory_space<hbm>>
    %dma_start3A_39 = tpu.memref_squeeze %dma_start3A_38 : memref<1x1x4096xf32, #tpu.memory_space<hbm>> -> memref<4096xf32, #tpu.memory_space<hbm>>
    tpu.enqueue_dma source(%arg7 : memref<4096xf32, #tpu.memory_space<vmem>>) target(%dma_start3A_39 : memref<4096xf32, #tpu.memory_space<hbm>>) target_semaphore(%arg9 : memref<!tpu.dma_semaphore, #tpu.memory_space<semaphore_mem>>)
    %parallel_loop3A_40 = arith.constant 0 : i32
    %parallel_loop3A_41 = arith.constant 256 : i32
    %parallel_loop3A_42 = arith.constant 1 : i32
    scf.for %parallel_loop3A_95 = %parallel_loop3A_40 to %parallel_loop3A_41 step %parallel_loop3A_42  : i32 {
      %parallel_loop3A_96 = arith.constant 16 : i32
      %parallel_loop3A_97 = arith.muli %parallel_loop3A_95, %parallel_loop3A_96 : i32
      %parallel_loop3A_98 = arith.constant 4096 : i32
      %parallel_loop3A_99 = arith.addi %parallel_loop3A_98, %parallel_loop3A_97 : i32
      %parallel_loop3A_100 = arith.index_cast %parallel_loop3A_99 : i32 to index
      %parallel_loop3A_101 = tpu.vector_load %arg6[%parallel_loop3A_100] {strides = array<i32>} : memref<16384xi32, #tpu.memory_space<vmem>>, vector<16xi32>,
      %parallel_loop3A_102 = tpu.vector_load_idx %arg5[%parallel_loop3A_101] : memref<100000xf32, #tpu.memory_space<vmem>>[vector<16xi32>], vector<16xf32>,
      %parallel_loop3A_103 = arith.constant 16 : i32
      %parallel_loop3A_104 = arith.muli %parallel_loop3A_95, %parallel_loop3A_103 : i32
      %parallel_loop3A_105 = arith.index_cast %parallel_loop3A_104 : i32 to index
      %parallel_loop3A_106 = tpu.vector_load %arg8[%parallel_loop3A_105] {strides = array<i32>} : memref<4096xf32, #tpu.memory_space<vmem>>, vector<16xf32>,
      tpu.vector_store %arg8[%parallel_loop3A_105], %parallel_loop3A_102 {strides = array<i32>} : memref<4096xf32, #tpu.memory_space<vmem>>, vector<16xf32>,
    } {sc.loop_unroll_factor = 8 : i64, sc.parallel_access}
    %dma_start3A_43 = arith.constant 4096 : i32
    %dma_start3A_44 = tpu.memref_slice %arg4[%select_n3A, %select_n3A_32, %dma_start3A_43] : memref<26x32x16384xf32, #tpu.memory_space<hbm>> -> memref<1x1x4096xf32, #tpu.memory_space<hbm>>
    %dma_start3A_45 = tpu.memref_squeeze %dma_start3A_44 : memref<1x1x4096xf32, #tpu.memory_space<hbm>> -> memref<4096xf32, #tpu.memory_space<hbm>>
    %dma_start3A_46 = arith.constant 4096 : i32
    %dma_start3A_47 = tpu.memref_slice %arg4[%select_n3A, %select_n3A_32, %dma_start3A_46] : memref<26x32x16384xf32, #tpu.memory_space<hbm>> -> memref<1x1x4096xf32, #tpu.memory_space<hbm>>
    %dma_start3A_48 = tpu.memref_squeeze %dma_start3A_47 : memref<1x1x4096xf32, #tpu.memory_space<hbm>> -> memref<4096xf32, #tpu.memory_space<hbm>>
    tpu.enqueue_dma source(%arg8 : memref<4096xf32, #tpu.memory_space<vmem>>) target(%dma_start3A_48 : memref<4096xf32, #tpu.memory_space<hbm>>) target_semaphore(%arg10 : memref<!tpu.dma_semaphore, #tpu.memory_space<semaphore_mem>>)
    %dma_wait3A = arith.constant 8192 : i32
    %dma_wait3A_49 = tpu.memref_slice %arg4[%select_n3A, %select_n3A_32, %dma_wait3A] : memref<26x32x16384xf32, #tpu.memory_space<hbm>> -> memref<1x1x4096xf32, #tpu.memory_space<hbm>>
    %dma_wait3A_50 = tpu.memref_squeeze %dma_wait3A_49 : memref<1x1x4096xf32, #tpu.memory_space<hbm>> -> memref<4096xf32, #tpu.memory_space<hbm>>
    %dma_wait3A_51 = arith.constant 8192 : i32
    %dma_wait3A_52 = tpu.memref_slice %arg4[%select_n3A, %select_n3A_32, %dma_wait3A_51] : memref<26x32x16384xf32, #tpu.memory_space<hbm>> -> memref<1x1x4096xf32, #tpu.memory_space<hbm>>
    %dma_wait3A_53 = tpu.memref_squeeze %dma_wait3A_52 : memref<1x1x4096xf32, #tpu.memory_space<hbm>> -> memref<4096xf32, #tpu.memory_space<hbm>>
    tpu.wait_dma2 semaphore(%arg9 : memref<!tpu.dma_semaphore, #tpu.memory_space<semaphore_mem>>) src(%dma_wait3A_53 : memref<4096xf32, #tpu.memory_space<hbm>>) dst(%arg7 : memref<4096xf32, #tpu.memory_space<vmem>>)
    %parallel_loop3A_54 = arith.constant 0 : i32
    %parallel_loop3A_55 = arith.constant 256 : i32
    %parallel_loop3A_56 = arith.constant 1 : i32
    scf.for %parallel_loop3A_95 = %parallel_loop3A_54 to %parallel_loop3A_55 step %parallel_loop3A_56  : i32 {
      %parallel_loop3A_96 = arith.constant 16 : i32
      %parallel_loop3A_97 = arith.muli %parallel_loop3A_95, %parallel_loop3A_96 : i32
      %parallel_loop3A_98 = arith.constant 8192 : i32
      %parallel_loop3A_99 = arith.addi %parallel_loop3A_98, %parallel_loop3A_97 : i32
      %parallel_loop3A_100 = arith.index_cast %parallel_loop3A_99 : i32 to index
      %parallel_loop3A_101 = tpu.vector_load %arg6[%parallel_loop3A_100] {strides = array<i32>} : memref<16384xi32, #tpu.memory_space<vmem>>, vector<16xi32>,
      %parallel_loop3A_102 = tpu.vector_load_idx %arg5[%parallel_loop3A_101] : memref<100000xf32, #tpu.memory_space<vmem>>[vector<16xi32>], vector<16xf32>,
      %parallel_loop3A_103 = arith.constant 16 : i32
      %parallel_loop3A_104 = arith.muli %parallel_loop3A_95, %parallel_loop3A_103 : i32
      %parallel_loop3A_105 = arith.index_cast %parallel_loop3A_104 : i32 to index
      %parallel_loop3A_106 = tpu.vector_load %arg7[%parallel_loop3A_105] {strides = array<i32>} : memref<4096xf32, #tpu.memory_space<vmem>>, vector<16xf32>,
      tpu.vector_store %arg7[%parallel_loop3A_105], %parallel_loop3A_102 {strides = array<i32>} : memref<4096xf32, #tpu.memory_space<vmem>>, vector<16xf32>,
    } {sc.loop_unroll_factor = 8 : i64, sc.parallel_access}
    %dma_start3A_57 = arith.constant 8192 : i32
    %dma_start3A_58 = tpu.memref_slice %arg4[%select_n3A, %select_n3A_32, %dma_start3A_57] : memref<26x32x16384xf32, #tpu.memory_space<hbm>> -> memref<1x1x4096xf32, #tpu.memory_space<hbm>>
    %dma_start3A_59 = tpu.memref_squeeze %dma_start3A_58 : memref<1x1x4096xf32, #tpu.memory_space<hbm>> -> memref<4096xf32, #tpu.memory_space<hbm>>
    %dma_start3A_60 = arith.constant 8192 : i32
    %dma_start3A_61 = tpu.memref_slice %arg4[%select_n3A, %select_n3A_32, %dma_start3A_60] : memref<26x32x16384xf32, #tpu.memory_space<hbm>> -> memref<1x1x4096xf32, #tpu.memory_space<hbm>>
    %dma_start3A_62 = tpu.memref_squeeze %dma_start3A_61 : memref<1x1x4096xf32, #tpu.memory_space<hbm>> -> memref<4096xf32, #tpu.memory_space<hbm>>
    tpu.enqueue_dma source(%arg7 : memref<4096xf32, #tpu.memory_space<vmem>>) target(%dma_start3A_62 : memref<4096xf32, #tpu.memory_space<hbm>>) target_semaphore(%arg9 : memref<!tpu.dma_semaphore, #tpu.memory_space<semaphore_mem>>)
    %dma_wait3A_63 = arith.constant 12288 : i32
    %dma_wait3A_64 = tpu.memref_slice %arg4[%select_n3A, %select_n3A_32, %dma_wait3A_63] : memref<26x32x16384xf32, #tpu.memory_space<hbm>> -> memref<1x1x4096xf32, #tpu.memory_space<hbm>>
    %dma_wait3A_65 = tpu.memref_squeeze %dma_wait3A_64 : memref<1x1x4096xf32, #tpu.memory_space<hbm>> -> memref<4096xf32, #tpu.memory_space<hbm>>
    %dma_wait3A_66 = arith.constant 12288 : i32
    %dma_wait3A_67 = tpu.memref_slice %arg4[%select_n3A, %select_n3A_32, %dma_wait3A_66] : memref<26x32x16384xf32, #tpu.memory_space<hbm>> -> memref<1x1x4096xf32, #tpu.memory_space<hbm>>
    %dma_wait3A_68 = tpu.memref_squeeze %dma_wait3A_67 : memref<1x1x4096xf32, #tpu.memory_space<hbm>> -> memref<4096xf32, #tpu.memory_space<hbm>>
    tpu.wait_dma2 semaphore(%arg10 : memref<!tpu.dma_semaphore, #tpu.memory_space<semaphore_mem>>) src(%dma_wait3A_68 : memref<4096xf32, #tpu.memory_space<hbm>>) dst(%arg8 : memref<4096xf32, #tpu.memory_space<vmem>>)
    %parallel_loop3A_69 = arith.constant 0 : i32
    %parallel_loop3A_70 = arith.constant 256 : i32
    %parallel_loop3A_71 = arith.constant 1 : i32
    scf.for %parallel_loop3A_95 = %parallel_loop3A_69 to %parallel_loop3A_70 step %parallel_loop3A_71  : i32 {
      %parallel_loop3A_96 = arith.constant 16 : i32
      %parallel_loop3A_97 = arith.muli %parallel_loop3A_95, %parallel_loop3A_96 : i32
      %parallel_loop3A_98 = arith.constant 12288 : i32
      %parallel_loop3A_99 = arith.addi %parallel_loop3A_98, %parallel_loop3A_97 : i32
      %parallel_loop3A_100 = arith.index_cast %parallel_loop3A_99 : i32 to index
      %parallel_loop3A_101 = tpu.vector_load %arg6[%parallel_loop3A_100] {strides = array<i32>} : memref<16384xi32, #tpu.memory_space<vmem>>, vector<16xi32>,
      %parallel_loop3A_102 = tpu.vector_load_idx %arg5[%parallel_loop3A_101] : memref<100000xf32, #tpu.memory_space<vmem>>[vector<16xi32>], vector<16xf32>,
      %parallel_loop3A_103 = arith.constant 16 : i32
      %parallel_loop3A_104 = arith.muli %parallel_loop3A_95, %parallel_loop3A_103 : i32
      %parallel_loop3A_105 = arith.index_cast %parallel_loop3A_104 : i32 to index
      %parallel_loop3A_106 = tpu.vector_load %arg8[%parallel_loop3A_105] {strides = array<i32>} : memref<4096xf32, #tpu.memory_space<vmem>>, vector<16xf32>,
      tpu.vector_store %arg8[%parallel_loop3A_105], %parallel_loop3A_102 {strides = array<i32>} : memref<4096xf32, #tpu.memory_space<vmem>>, vector<16xf32>,
    } {sc.loop_unroll_factor = 8 : i64, sc.parallel_access}
    %dma_start3A_72 = arith.constant 12288 : i32
    %dma_start3A_73 = tpu.memref_slice %arg4[%select_n3A, %select_n3A_32, %dma_start3A_72] : memref<26x32x16384xf32, #tpu.memory_space<hbm>> -> memref<1x1x4096xf32, #tpu.memory_space<hbm>>
    %dma_start3A_74 = tpu.memref_squeeze %dma_start3A_73 : memref<1x1x4096xf32, #tpu.memory_space<hbm>> -> memref<4096xf32, #tpu.memory_space<hbm>>
    %dma_start3A_75 = arith.constant 12288 : i32
    %dma_start3A_76 = tpu.memref_slice %arg4[%select_n3A, %select_n3A_32, %dma_start3A_75] : memref<26x32x16384xf32, #tpu.memory_space<hbm>> -> memref<1x1x4096xf32, #tpu.memory_space<hbm>>
    %dma_start3A_77 = tpu.memref_squeeze %dma_start3A_76 : memref<1x1x4096xf32, #tpu.memory_space<hbm>> -> memref<4096xf32, #tpu.memory_space<hbm>>
    tpu.enqueue_dma source(%arg8 : memref<4096xf32, #tpu.memory_space<vmem>>) target(%dma_start3A_77 : memref<4096xf32, #tpu.memory_space<hbm>>) target_semaphore(%arg10 : memref<!tpu.dma_semaphore, #tpu.memory_space<semaphore_mem>>)
    %scan3A = arith.constant 0 : i32
    %scan3A_78 = arith.constant 1 : i32
    %scan3A_79 = arith.constant 25 : i32
    %scan3A_80 = arith.addi %scan3A_78, %scan3A_79 : i32
    %scan3A_81 = arith.constant 1 : i32
    scf.for %scan3A_95 = %scan3A_78 to %scan3A_80 step %scan3A_81  : i32 {
      %add3A_96 = arith.addi %mul3A_2, %scan3A_95 : i32
      %jit3A_97 = arith.constant 32 : i32
      %div3A_98 = arith.divsi %add3A_96, %jit3A_97 : i32
      %sign3A_99 = arith.constant 0 : i32
      %sign3A_100 = arith.cmpi sgt, %add3A_96, %sign3A_99 : i32
      %sign3A_101 = arith.extui %sign3A_100 : i1 to i32
      %sign3A_102 = arith.constant 0 : i32
      %sign3A_103 = arith.cmpi slt, %add3A_96, %sign3A_102 : i32
      %sign3A_104 = arith.extui %sign3A_103 : i1 to i32
      %sign3A_105 = arith.subi %sign3A_101, %sign3A_104 : i32
      %sign3A_106 = arith.constant 0 : i32
      %sign3A_107 = arith.cmpi sgt, %jit3A_97, %sign3A_106 : i32
      %sign3A_108 = arith.extui %sign3A_107 : i1 to i32
      %sign3A_109 = arith.constant 0 : i32
      %sign3A_110 = arith.cmpi slt, %jit3A_97, %sign3A_109 : i32
      %sign3A_111 = arith.extui %sign3A_110 : i1 to i32
      %sign3A_112 = arith.subi %sign3A_108, %sign3A_111 : i32
      %ne3A_113 = arith.cmpi ne, %sign3A_105, %sign3A_112 : i32
      %rem3A_114 = arith.remsi %add3A_96, %jit3A_97 : i32
      %ne3A_115 = arith.constant 0 : i32
      %ne3A_116 = arith.cmpi ne, %rem3A_114, %ne3A_115 : i32
      %and3A_117 = arith.andi %ne3A_113, %ne3A_116 : i1
      %sub3A_118 = arith.constant 1 : i32
      %sub3A_119 = arith.subi %div3A_98, %sub3A_118 : i32
      %select_n3A_120 = arith.select %and3A_117, %sub3A_119, %div3A_98 : i32
      %jit3A_121 = arith.constant 32 : i32
      %eq3A_122 = arith.constant 0 : i32
      %eq3A_123 = arith.cmpi eq, %jit3A_121, %eq3A_122 : i32
      %jit3A_124 = arith.constant 1 : i32
      %select_n3A_125 = arith.select %eq3A_123, %jit3A_124, %jit3A_121 : i32
      %rem3A_126 = arith.remsi %add3A_96, %select_n3A_125 : i32
      %ne3A_127 = arith.constant 0 : i32
      %ne3A_128 = arith.cmpi ne, %rem3A_126, %ne3A_127 : i32
      %lt3A_129 = arith.constant 0 : i32
      %lt3A_130 = arith.cmpi slt, %rem3A_126, %lt3A_129 : i32
      %lt3A_131 = arith.constant 0 : i32
      %lt3A_132 = arith.cmpi slt, %select_n3A_125, %lt3A_131 : i32
      %ne3A_133 = arith.xori %lt3A_130, %lt3A_132 : i1
      %and3A_134 = arith.andi %ne3A_133, %ne3A_128 : i1
      %add3A_135 = arith.addi %rem3A_126, %select_n3A_125 : i32
      %select_n3A_136 = arith.select %and3A_134, %add3A_135, %rem3A_126 : i32
      "tpu.region"() ({
        %run_scoped3A = tpu.sem_alloc : memref<!tpu.dma_semaphore, #tpu.memory_space<semaphore_mem>>
        %dma_start3A_200 = arith.constant 0 : i32
        %dma_start3A_201 = tpu.memref_slice %arg2[%select_n3A_120, %select_n3A_136, %dma_start3A_200] : memref<26x32x100000xf32, #tpu.memory_space<hbm>> -> memref<1x1x100000xf32, #tpu.memory_space<hbm>>
        %dma_start3A_202 = tpu.memref_squeeze %dma_start3A_201 : memref<1x1x100000xf32, #tpu.memory_space<hbm>> -> memref<100000xf32, #tpu.memory_space<hbm>>
        %dma_start3A_203 = arith.constant 0 : i32
        %dma_start3A_204 = tpu.memref_slice %arg2[%select_n3A_120, %select_n3A_136, %dma_start3A_203] : memref<26x32x100000xf32, #tpu.memory_space<hbm>> -> memref<1x1x100000xf32, #tpu.memory_space<hbm>>
        %dma_start3A_205 = tpu.memref_squeeze %dma_start3A_204 : memref<1x1x100000xf32, #tpu.memory_space<hbm>> -> memref<100000xf32, #tpu.memory_space<hbm>>
        tpu.enqueue_dma source(%dma_start3A_205 : memref<100000xf32, #tpu.memory_space<hbm>>) target(%arg5 : memref<100000xf32, #tpu.memory_space<vmem>>) target_semaphore(%run_scoped3A : memref<!tpu.dma_semaphore, #tpu.memory_space<semaphore_mem>>)
        %dma_wait3A_206 = arith.constant 0 : i32
        %dma_wait3A_207 = tpu.memref_slice %arg2[%select_n3A_120, %select_n3A_136, %dma_wait3A_206] : memref<26x32x100000xf32, #tpu.memory_space<hbm>> -> memref<1x1x100000xf32, #tpu.memory_space<hbm>>
        %dma_wait3A_208 = tpu.memref_squeeze %dma_wait3A_207 : memref<1x1x100000xf32, #tpu.memory_space<hbm>> -> memref<100000xf32, #tpu.memory_space<hbm>>
        %dma_wait3A_209 = arith.constant 0 : i32
        %dma_wait3A_210 = tpu.memref_slice %arg2[%select_n3A_120, %select_n3A_136, %dma_wait3A_209] : memref<26x32x100000xf32, #tpu.memory_space<hbm>> -> memref<1x1x100000xf32, #tpu.memory_space<hbm>>
        %dma_wait3A_211 = tpu.memref_squeeze %dma_wait3A_210 : memref<1x1x100000xf32, #tpu.memory_space<hbm>> -> memref<100000xf32, #tpu.memory_space<hbm>>
        tpu.wait_dma2 semaphore(%run_scoped3A : memref<!tpu.dma_semaphore, #tpu.memory_space<semaphore_mem>>) src(%dma_wait3A_211 : memref<100000xf32, #tpu.memory_space<hbm>>) dst(%arg5 : memref<100000xf32, #tpu.memory_space<vmem>>)
        tpu.yield
      }) : () -> ()
      %eq3A_137 = arith.constant 0 : i32
      %eq3A_138 = arith.cmpi eq, %select_n3A_136, %eq3A_137 : i32
      %convert_element_type3A = arith.extui %eq3A_138 : i1 to i32
      %cond3A = arith.constant 0 : i32
      %cond3A_139 = arith.cmpi ne, %convert_element_type3A, %cond3A : i32
      scf.if %cond3A_139 {
        "tpu.region"() ({
          %run_scoped3A = tpu.sem_alloc : memref<!tpu.dma_semaphore, #tpu.memory_space<semaphore_mem>>
          %dma_start3A_200 = arith.constant 0 : i32
          %dma_start3A_201 = tpu.memref_slice %arg3[%select_n3A_120, %dma_start3A_200] : memref<26x16384xi32, #tpu.memory_space<hbm>> -> memref<1x16384xi32, #tpu.memory_space<hbm>>
          %dma_start3A_202 = tpu.memref_squeeze %dma_start3A_201 : memref<1x16384xi32, #tpu.memory_space<hbm>> -> memref<16384xi32, #tpu.memory_space<hbm>>
          %dma_start3A_203 = arith.constant 0 : i32
          %dma_start3A_204 = tpu.memref_slice %arg3[%select_n3A_120, %dma_start3A_203] : memref<26x16384xi32, #tpu.memory_space<hbm>> -> memref<1x16384xi32, #tpu.memory_space<hbm>>
          %dma_start3A_205 = tpu.memref_squeeze %dma_start3A_204 : memref<1x16384xi32, #tpu.memory_space<hbm>> -> memref<16384xi32, #tpu.memory_space<hbm>>
          tpu.enqueue_dma source(%dma_start3A_205 : memref<16384xi32, #tpu.memory_space<hbm>>) target(%arg6 : memref<16384xi32, #tpu.memory_space<vmem>>) target_semaphore(%run_scoped3A : memref<!tpu.dma_semaphore, #tpu.memory_space<semaphore_mem>>)
          %dma_wait3A_206 = arith.constant 0 : i32
          %dma_wait3A_207 = tpu.memref_slice %arg3[%select_n3A_120, %dma_wait3A_206] : memref<26x16384xi32, #tpu.memory_space<hbm>> -> memref<1x16384xi32, #tpu.memory_space<hbm>>
          %dma_wait3A_208 = tpu.memref_squeeze %dma_wait3A_207 : memref<1x16384xi32, #tpu.memory_space<hbm>> -> memref<16384xi32, #tpu.memory_space<hbm>>
          %dma_wait3A_209 = arith.constant 0 : i32
          %dma_wait3A_210 = tpu.memref_slice %arg3[%select_n3A_120, %dma_wait3A_209] : memref<26x16384xi32, #tpu.memory_space<hbm>> -> memref<1x16384xi32, #tpu.memory_space<hbm>>
          %dma_wait3A_211 = tpu.memref_squeeze %dma_wait3A_210 : memref<1x16384xi32, #tpu.memory_space<hbm>> -> memref<16384xi32, #tpu.memory_space<hbm>>
          tpu.wait_dma2 semaphore(%run_scoped3A : memref<!tpu.dma_semaphore, #tpu.memory_space<semaphore_mem>>) src(%dma_wait3A_211 : memref<16384xi32, #tpu.memory_space<hbm>>) dst(%arg6 : memref<16384xi32, #tpu.memory_space<vmem>>)
          tpu.yield
        }) : () -> ()
      } else {
      }
      %dma_wait3A_140 = arith.constant 0 : i32
      %dma_wait3A_141 = tpu.memref_slice %arg4[%select_n3A_120, %select_n3A_136, %dma_wait3A_140] : memref<26x32x16384xf32, #tpu.memory_space<hbm>> -> memref<1x1x4096xf32, #tpu.memory_space<hbm>>
      %dma_wait3A_142 = tpu.memref_squeeze %dma_wait3A_141 : memref<1x1x4096xf32, #tpu.memory_space<hbm>> -> memref<4096xf32, #tpu.memory_space<hbm>>
      %dma_wait3A_143 = arith.constant 0 : i32
      %dma_wait3A_144 = tpu.memref_slice %arg4[%select_n3A_120, %select_n3A_136, %dma_wait3A_143] : memref<26x32x16384xf32, #tpu.memory_space<hbm>> -> memref<1x1x4096xf32, #tpu.memory_space<hbm>>
      %dma_wait3A_145 = tpu.memref_squeeze %dma_wait3A_144 : memref<1x1x4096xf32, #tpu.memory_space<hbm>> -> memref<4096xf32, #tpu.memory_space<hbm>>
      tpu.wait_dma2 semaphore(%arg9 : memref<!tpu.dma_semaphore, #tpu.memory_space<semaphore_mem>>) src(%dma_wait3A_145 : memref<4096xf32, #tpu.memory_space<hbm>>) dst(%arg7 : memref<4096xf32, #tpu.memory_space<vmem>>)
      %parallel_loop3A_146 = arith.constant 0 : i32
      %parallel_loop3A_147 = arith.constant 256 : i32
      %parallel_loop3A_148 = arith.constant 1 : i32
      scf.for %parallel_loop3A_200 = %parallel_loop3A_146 to %parallel_loop3A_147 step %parallel_loop3A_148  : i32 {
        %parallel_loop3A_201 = arith.constant 16 : i32
        %parallel_loop3A_202 = arith.muli %parallel_loop3A_200, %parallel_loop3A_201 : i32
        %parallel_loop3A_203 = arith.constant 0 : i32
        %parallel_loop3A_204 = arith.addi %parallel_loop3A_203, %parallel_loop3A_202 : i32
        %parallel_loop3A_205 = arith.index_cast %parallel_loop3A_204 : i32 to index
        %parallel_loop3A_206 = tpu.vector_load %arg6[%parallel_loop3A_205] {strides = array<i32>} : memref<16384xi32, #tpu.memory_space<vmem>>, vector<16xi32>,
        %parallel_loop3A_207 = tpu.vector_load_idx %arg5[%parallel_loop3A_206] : memref<100000xf32, #tpu.memory_space<vmem>>[vector<16xi32>], vector<16xf32>,
        %parallel_loop3A_208 = arith.constant 16 : i32
        %parallel_loop3A_209 = arith.muli %parallel_loop3A_200, %parallel_loop3A_208 : i32
        %parallel_loop3A_210 = arith.index_cast %parallel_loop3A_209 : i32 to index
        %parallel_loop3A_211 = tpu.vector_load %arg7[%parallel_loop3A_210] {strides = array<i32>} : memref<4096xf32, #tpu.memory_space<vmem>>, vector<16xf32>,
        tpu.vector_store %arg7[%parallel_loop3A_210], %parallel_loop3A_207 {strides = array<i32>} : memref<4096xf32, #tpu.memory_space<vmem>>, vector<16xf32>,
      } {sc.loop_unroll_factor = 8 : i64, sc.parallel_access}
      %dma_start3A_149 = arith.constant 0 : i32
      %dma_start3A_150 = tpu.memref_slice %arg4[%select_n3A_120, %select_n3A_136, %dma_start3A_149] : memref<26x32x16384xf32, #tpu.memory_space<hbm>> -> memref<1x1x4096xf32, #tpu.memory_space<hbm>>
      %dma_start3A_151 = tpu.memref_squeeze %dma_start3A_150 : memref<1x1x4096xf32, #tpu.memory_space<hbm>> -> memref<4096xf32, #tpu.memory_space<hbm>>
      %dma_start3A_152 = arith.constant 0 : i32
      %dma_start3A_153 = tpu.memref_slice %arg4[%select_n3A_120, %select_n3A_136, %dma_start3A_152] : memref<26x32x16384xf32, #tpu.memory_space<hbm>> -> memref<1x1x4096xf32, #tpu.memory_space<hbm>>
      %dma_start3A_154 = tpu.memref_squeeze %dma_start3A_153 : memref<1x1x4096xf32, #tpu.memory_space<hbm>> -> memref<4096xf32, #tpu.memory_space<hbm>>
      tpu.enqueue_dma source(%arg7 : memref<4096xf32, #tpu.memory_space<vmem>>) target(%dma_start3A_154 : memref<4096xf32, #tpu.memory_space<hbm>>) target_semaphore(%arg9 : memref<!tpu.dma_semaphore, #tpu.memory_space<semaphore_mem>>)
      %dma_wait3A_155 = arith.constant 4096 : i32
      %dma_wait3A_156 = tpu.memref_slice %arg4[%select_n3A_120, %select_n3A_136, %dma_wait3A_155] : memref<26x32x16384xf32, #tpu.memory_space<hbm>> -> memref<1x1x4096xf32, #tpu.memory_space<hbm>>
      %dma_wait3A_157 = tpu.memref_squeeze %dma_wait3A_156 : memref<1x1x4096xf32, #tpu.memory_space<hbm>> -> memref<4096xf32, #tpu.memory_space<hbm>>
      %dma_wait3A_158 = arith.constant 4096 : i32
      %dma_wait3A_159 = tpu.memref_slice %arg4[%select_n3A_120, %select_n3A_136, %dma_wait3A_158] : memref<26x32x16384xf32, #tpu.memory_space<hbm>> -> memref<1x1x4096xf32, #tpu.memory_space<hbm>>
      %dma_wait3A_160 = tpu.memref_squeeze %dma_wait3A_159 : memref<1x1x4096xf32, #tpu.memory_space<hbm>> -> memref<4096xf32, #tpu.memory_space<hbm>>
      tpu.wait_dma2 semaphore(%arg10 : memref<!tpu.dma_semaphore, #tpu.memory_space<semaphore_mem>>) src(%dma_wait3A_160 : memref<4096xf32, #tpu.memory_space<hbm>>) dst(%arg8 : memref<4096xf32, #tpu.memory_space<vmem>>)
      %parallel_loop3A_161 = arith.constant 0 : i32
      %parallel_loop3A_162 = arith.constant 256 : i32
      %parallel_loop3A_163 = arith.constant 1 : i32
      scf.for %parallel_loop3A_200 = %parallel_loop3A_161 to %parallel_loop3A_162 step %parallel_loop3A_163  : i32 {
        %parallel_loop3A_201 = arith.constant 16 : i32
        %parallel_loop3A_202 = arith.muli %parallel_loop3A_200, %parallel_loop3A_201 : i32
        %parallel_loop3A_203 = arith.constant 4096 : i32
        %parallel_loop3A_204 = arith.addi %parallel_loop3A_203, %parallel_loop3A_202 : i32
        %parallel_loop3A_205 = arith.index_cast %parallel_loop3A_204 : i32 to index
        %parallel_loop3A_206 = tpu.vector_load %arg6[%parallel_loop3A_205] {strides = array<i32>} : memref<16384xi32, #tpu.memory_space<vmem>>, vector<16xi32>,
        %parallel_loop3A_207 = tpu.vector_load_idx %arg5[%parallel_loop3A_206] : memref<100000xf32, #tpu.memory_space<vmem>>[vector<16xi32>], vector<16xf32>,
        %parallel_loop3A_208 = arith.constant 16 : i32
        %parallel_loop3A_209 = arith.muli %parallel_loop3A_200, %parallel_loop3A_208 : i32
        %parallel_loop3A_210 = arith.index_cast %parallel_loop3A_209 : i32 to index
        %parallel_loop3A_211 = tpu.vector_load %arg8[%parallel_loop3A_210] {strides = array<i32>} : memref<4096xf32, #tpu.memory_space<vmem>>, vector<16xf32>,
        tpu.vector_store %arg8[%parallel_loop3A_210], %parallel_loop3A_207 {strides = array<i32>} : memref<4096xf32, #tpu.memory_space<vmem>>, vector<16xf32>,
      } {sc.loop_unroll_factor = 8 : i64, sc.parallel_access}
      %dma_start3A_164 = arith.constant 4096 : i32
      %dma_start3A_165 = tpu.memref_slice %arg4[%select_n3A_120, %select_n3A_136, %dma_start3A_164] : memref<26x32x16384xf32, #tpu.memory_space<hbm>> -> memref<1x1x4096xf32, #tpu.memory_space<hbm>>
      %dma_start3A_166 = tpu.memref_squeeze %dma_start3A_165 : memref<1x1x4096xf32, #tpu.memory_space<hbm>> -> memref<4096xf32, #tpu.memory_space<hbm>>
      %dma_start3A_167 = arith.constant 4096 : i32
      %dma_start3A_168 = tpu.memref_slice %arg4[%select_n3A_120, %select_n3A_136, %dma_start3A_167] : memref<26x32x16384xf32, #tpu.memory_space<hbm>> -> memref<1x1x4096xf32, #tpu.memory_space<hbm>>
      %dma_start3A_169 = tpu.memref_squeeze %dma_start3A_168 : memref<1x1x4096xf32, #tpu.memory_space<hbm>> -> memref<4096xf32, #tpu.memory_space<hbm>>
      tpu.enqueue_dma source(%arg8 : memref<4096xf32, #tpu.memory_space<vmem>>) target(%dma_start3A_169 : memref<4096xf32, #tpu.memory_space<hbm>>) target_semaphore(%arg10 : memref<!tpu.dma_semaphore, #tpu.memory_space<semaphore_mem>>)
      %dma_wait3A_170 = arith.constant 8192 : i32
      %dma_wait3A_171 = tpu.memref_slice %arg4[%select_n3A_120, %select_n3A_136, %dma_wait3A_170] : memref<26x32x16384xf32, #tpu.memory_space<hbm>> -> memref<1x1x4096xf32, #tpu.memory_space<hbm>>
      %dma_wait3A_172 = tpu.memref_squeeze %dma_wait3A_171 : memref<1x1x4096xf32, #tpu.memory_space<hbm>> -> memref<4096xf32, #tpu.memory_space<hbm>>
      %dma_wait3A_173 = arith.constant 8192 : i32
      %dma_wait3A_174 = tpu.memref_slice %arg4[%select_n3A_120, %select_n3A_136, %dma_wait3A_173] : memref<26x32x16384xf32, #tpu.memory_space<hbm>> -> memref<1x1x4096xf32, #tpu.memory_space<hbm>>
      %dma_wait3A_175 = tpu.memref_squeeze %dma_wait3A_174 : memref<1x1x4096xf32, #tpu.memory_space<hbm>> -> memref<4096xf32, #tpu.memory_space<hbm>>
      tpu.wait_dma2 semaphore(%arg9 : memref<!tpu.dma_semaphore, #tpu.memory_space<semaphore_mem>>) src(%dma_wait3A_175 : memref<4096xf32, #tpu.memory_space<hbm>>) dst(%arg7 : memref<4096xf32, #tpu.memory_space<vmem>>)
      %parallel_loop3A_176 = arith.constant 0 : i32
      %parallel_loop3A_177 = arith.constant 256 : i32
      %parallel_loop3A_178 = arith.constant 1 : i32
      scf.for %parallel_loop3A_200 = %parallel_loop3A_176 to %parallel_loop3A_177 step %parallel_loop3A_178  : i32 {
        %parallel_loop3A_201 = arith.constant 16 : i32
        %parallel_loop3A_202 = arith.muli %parallel_loop3A_200, %parallel_loop3A_201 : i32
        %parallel_loop3A_203 = arith.constant 8192 : i32
        %parallel_loop3A_204 = arith.addi %parallel_loop3A_203, %parallel_loop3A_202 : i32
        %parallel_loop3A_205 = arith.index_cast %parallel_loop3A_204 : i32 to index
        %parallel_loop3A_206 = tpu.vector_load %arg6[%parallel_loop3A_205] {strides = array<i32>} : memref<16384xi32, #tpu.memory_space<vmem>>, vector<16xi32>,
        %parallel_loop3A_207 = tpu.vector_load_idx %arg5[%parallel_loop3A_206] : memref<100000xf32, #tpu.memory_space<vmem>>[vector<16xi32>], vector<16xf32>,
        %parallel_loop3A_208 = arith.constant 16 : i32
        %parallel_loop3A_209 = arith.muli %parallel_loop3A_200, %parallel_loop3A_208 : i32
        %parallel_loop3A_210 = arith.index_cast %parallel_loop3A_209 : i32 to index
        %parallel_loop3A_211 = tpu.vector_load %arg7[%parallel_loop3A_210] {strides = array<i32>} : memref<4096xf32, #tpu.memory_space<vmem>>, vector<16xf32>,
        tpu.vector_store %arg7[%parallel_loop3A_210], %parallel_loop3A_207 {strides = array<i32>} : memref<4096xf32, #tpu.memory_space<vmem>>, vector<16xf32>,
      } {sc.loop_unroll_factor = 8 : i64, sc.parallel_access}
      %dma_start3A_179 = arith.constant 8192 : i32
      %dma_start3A_180 = tpu.memref_slice %arg4[%select_n3A_120, %select_n3A_136, %dma_start3A_179] : memref<26x32x16384xf32, #tpu.memory_space<hbm>> -> memref<1x1x4096xf32, #tpu.memory_space<hbm>>
      %dma_start3A_181 = tpu.memref_squeeze %dma_start3A_180 : memref<1x1x4096xf32, #tpu.memory_space<hbm>> -> memref<4096xf32, #tpu.memory_space<hbm>>
      %dma_start3A_182 = arith.constant 8192 : i32
      %dma_start3A_183 = tpu.memref_slice %arg4[%select_n3A_120, %select_n3A_136, %dma_start3A_182] : memref<26x32x16384xf32, #tpu.memory_space<hbm>> -> memref<1x1x4096xf32, #tpu.memory_space<hbm>>
      %dma_start3A_184 = tpu.memref_squeeze %dma_start3A_183 : memref<1x1x4096xf32, #tpu.memory_space<hbm>> -> memref<4096xf32, #tpu.memory_space<hbm>>
      tpu.enqueue_dma source(%arg7 : memref<4096xf32, #tpu.memory_space<vmem>>) target(%dma_start3A_184 : memref<4096xf32, #tpu.memory_space<hbm>>) target_semaphore(%arg9 : memref<!tpu.dma_semaphore, #tpu.memory_space<semaphore_mem>>)
      %dma_wait3A_185 = arith.constant 12288 : i32
      %dma_wait3A_186 = tpu.memref_slice %arg4[%select_n3A_120, %select_n3A_136, %dma_wait3A_185] : memref<26x32x16384xf32, #tpu.memory_space<hbm>> -> memref<1x1x4096xf32, #tpu.memory_space<hbm>>
      %dma_wait3A_187 = tpu.memref_squeeze %dma_wait3A_186 : memref<1x1x4096xf32, #tpu.memory_space<hbm>> -> memref<4096xf32, #tpu.memory_space<hbm>>
      %dma_wait3A_188 = arith.constant 12288 : i32
      %dma_wait3A_189 = tpu.memref_slice %arg4[%select_n3A_120, %select_n3A_136, %dma_wait3A_188] : memref<26x32x16384xf32, #tpu.memory_space<hbm>> -> memref<1x1x4096xf32, #tpu.memory_space<hbm>>
      %dma_wait3A_190 = tpu.memref_squeeze %dma_wait3A_189 : memref<1x1x4096xf32, #tpu.memory_space<hbm>> -> memref<4096xf32, #tpu.memory_space<hbm>>
      tpu.wait_dma2 semaphore(%arg10 : memref<!tpu.dma_semaphore, #tpu.memory_space<semaphore_mem>>) src(%dma_wait3A_190 : memref<4096xf32, #tpu.memory_space<hbm>>) dst(%arg8 : memref<4096xf32, #tpu.memory_space<vmem>>)
      %parallel_loop3A_191 = arith.constant 0 : i32
      %parallel_loop3A_192 = arith.constant 256 : i32
      %parallel_loop3A_193 = arith.constant 1 : i32
      scf.for %parallel_loop3A_200 = %parallel_loop3A_191 to %parallel_loop3A_192 step %parallel_loop3A_193  : i32 {
        %parallel_loop3A_201 = arith.constant 16 : i32
        %parallel_loop3A_202 = arith.muli %parallel_loop3A_200, %parallel_loop3A_201 : i32
        %parallel_loop3A_203 = arith.constant 12288 : i32
        %parallel_loop3A_204 = arith.addi %parallel_loop3A_203, %parallel_loop3A_202 : i32
        %parallel_loop3A_205 = arith.index_cast %parallel_loop3A_204 : i32 to index
        %parallel_loop3A_206 = tpu.vector_load %arg6[%parallel_loop3A_205] {strides = array<i32>} : memref<16384xi32, #tpu.memory_space<vmem>>, vector<16xi32>,
        %parallel_loop3A_207 = tpu.vector_load_idx %arg5[%parallel_loop3A_206] : memref<100000xf32, #tpu.memory_space<vmem>>[vector<16xi32>], vector<16xf32>,
        %parallel_loop3A_208 = arith.constant 16 : i32
        %parallel_loop3A_209 = arith.muli %parallel_loop3A_200, %parallel_loop3A_208 : i32
        %parallel_loop3A_210 = arith.index_cast %parallel_loop3A_209 : i32 to index
        %parallel_loop3A_211 = tpu.vector_load %arg8[%parallel_loop3A_210] {strides = array<i32>} : memref<4096xf32, #tpu.memory_space<vmem>>, vector<16xf32>,
        tpu.vector_store %arg8[%parallel_loop3A_210], %parallel_loop3A_207 {strides = array<i32>} : memref<4096xf32, #tpu.memory_space<vmem>>, vector<16xf32>,
      } {sc.loop_unroll_factor = 8 : i64, sc.parallel_access}
      %dma_start3A_194 = arith.constant 12288 : i32
      %dma_start3A_195 = tpu.memref_slice %arg4[%select_n3A_120, %select_n3A_136, %dma_start3A_194] : memref<26x32x16384xf32, #tpu.memory_space<hbm>> -> memref<1x1x4096xf32, #tpu.memory_space<hbm>>
      %dma_start3A_196 = tpu.memref_squeeze %dma_start3A_195 : memref<1x1x4096xf32, #tpu.memory_space<hbm>> -> memref<4096xf32, #tpu.memory_space<hbm>>
      %dma_start3A_197 = arith.constant 12288 : i32
      %dma_start3A_198 = tpu.memref_slice %arg4[%select_n3A_120, %select_n3A_136, %dma_start3A_197] : memref<26x32x16384xf32, #tpu.memory_space<hbm>> -> memref<1x1x4096xf32, #tpu.memory_space<hbm>>
      %dma_start3A_199 = tpu.memref_squeeze %dma_start3A_198 : memref<1x1x4096xf32, #tpu.memory_space<hbm>> -> memref<4096xf32, #tpu.memory_space<hbm>>
      tpu.enqueue_dma source(%arg8 : memref<4096xf32, #tpu.memory_space<vmem>>) target(%dma_start3A_199 : memref<4096xf32, #tpu.memory_space<hbm>>) target_semaphore(%arg10 : memref<!tpu.dma_semaphore, #tpu.memory_space<semaphore_mem>>)
    }
    %scan3A_82 = arith.constant 25 : i32
    %dma_wait3A_83 = arith.constant 0 : i32
    %dma_wait3A_84 = tpu.memref_slice %arg4[%select_n3A, %select_n3A_32, %dma_wait3A_83] : memref<26x32x16384xf32, #tpu.memory_space<hbm>> -> memref<1x1x4096xf32, #tpu.memory_space<hbm>>
    %dma_wait3A_85 = tpu.memref_squeeze %dma_wait3A_84 : memref<1x1x4096xf32, #tpu.memory_space<hbm>> -> memref<4096xf32, #tpu.memory_space<hbm>>
    %dma_wait3A_86 = arith.constant 0 : i32
    %dma_wait3A_87 = tpu.memref_slice %arg4[%select_n3A, %select_n3A_32, %dma_wait3A_86] : memref<26x32x16384xf32, #tpu.memory_space<hbm>> -> memref<1x1x4096xf32, #tpu.memory_space<hbm>>
    %dma_wait3A_88 = tpu.memref_squeeze %dma_wait3A_87 : memref<1x1x4096xf32, #tpu.memory_space<hbm>> -> memref<4096xf32, #tpu.memory_space<hbm>>
    tpu.wait_dma2 semaphore(%arg9 : memref<!tpu.dma_semaphore, #tpu.memory_space<semaphore_mem>>) src(%dma_wait3A_88 : memref<4096xf32, #tpu.memory_space<hbm>>) dst(%arg7 : memref<4096xf32, #tpu.memory_space<vmem>>)
    %dma_wait3A_89 = arith.constant 4096 : i32
    %dma_wait3A_90 = tpu.memref_slice %arg4[%select_n3A, %select_n3A_32, %dma_wait3A_89] : memref<26x32x16384xf32, #tpu.memory_space<hbm>> -> memref<1x1x4096xf32, #tpu.memory_space<hbm>>
    %dma_wait3A_91 = tpu.memref_squeeze %dma_wait3A_90 : memref<1x1x4096xf32, #tpu.memory_space<hbm>> -> memref<4096xf32, #tpu.memory_space<hbm>>
    %dma_wait3A_92 = arith.constant 4096 : i32
    %dma_wait3A_93 = tpu.memref_slice %arg4[%select_n3A, %select_n3A_32, %dma_wait3A_92] : memref<26x32x16384xf32, #tpu.memory_space<hbm>> -> memref<1x1x4096xf32, #tpu.memory_space<hbm>>
    %dma_wait3A_94 = tpu.memref_squeeze %dma_wait3A_93 : memref<1x1x4096xf32, #tpu.memory_space<hbm>> -> memref<4096xf32, #tpu.memory_space<hbm>>
    tpu.wait_dma2 semaphore(%arg10 : memref<!tpu.dma_semaphore, #tpu.memory_space<semaphore_mem>>) src(%dma_wait3A_94 : memref<4096xf32, #tpu.memory_space<hbm>>) dst(%arg8 : memref<4096xf32, #tpu.memory_space<vmem>>)
    return
  }
}

</mosaic_0001>

<sc_bundles>
// kernel: kernel.3.cloned.1.call-start
scs
__scs_entry_jumppad:
0x0: {  	(pc) =	sbr.rel $0x88, $3  }
0x1: {  	(tag) =	ssettag $0x0;
	lr =	simm.s32 $0x1  }
0x2: {  	[smem:$0x3F9F] =	sst lr;
	_ =	strace $0xD0000000  }
0x3: {  	_ = 	snop  }
0x4: {  	_ = 	snop  }
0x5: {  	_ = 	snop  }
0x6: {  	_ = 	snop  }
0x7: {  	_ = 	snop  }
__scs_overlays_trampoline_lowered:
0x8: {  	[smem:$0x3FAE] =	sst s0  }
0x9: {  	[smem:$0x3FAF] =	sst s1  }
0xa: {  	[smem:$0x3FB0] =	sst s2  }
0xb: {  	[smem:$0x3FB1] =	sst s3  }
0xc: {  	[smem:$0x3FB2] =	sst s4  }
0xd: {  	[smem:$0x3FB3] =	sst s5  }
0xe: {  	[smem:$0x3FB4] =	sst s6  }
0xf: {  	[smem:$0x3FB5] =	sst s7  }
0x10: {  	[smem:$0x3FB6] =	sst s8  }
0x11: {  	[smem:$0x3FB7] =	sst s9;
	s0 =	simm.s32 @!p0 $0x0  }
0x12: {  	s1 =	sld [smem:$0x3F9D];
	s0 =	simm.s32 @p0 $0x1  }
0x13: {  	[smem:$0x3FB8] =	sst s0;
	s0 =	simm.s32 @!p1 $0x0  }
0x14: {  	s2 =	sld [smem:$0x3F9C];
	s0 =	simm.s32 @p1 $0x1  }
0x15: {  	[smem:$0x3FB9] =	sst s0;
	s0 =	simm.s32 @!p2 $0x0  }
0x16: {  	s3 =	sld [smem:$0x3FDB];
	s0 =	simm.s32 @p2 $0x1  }
0x17: {  	s4 =	simm.s32 $0x1BF5;
	[smem:$0x3FBB] =	sst s0  }
0x18: {  	s0 =	sld [smem:$0x3F9E];
	_ =	swait.ge [sflag:s4], $0x0  }
0x19: {  	s7 =	sld [smem:$0x3F9F]  }
0x1a: {  	s8 =	sadd.s32 $0xFFFFE003, lr  }
0x1b: {  	s9 =	sadd.s32 $0xFFFFFEF7, lr;
	s5 =	simm.s32 $0xFFFFFFFF;
	p2 =	slt.u32 s8, $0xFFFFF086  }
0x1c: {  	p1 =	slt.u32 s9, $0xF7A;
	s5 =	simm.s32 @!p2 $0x0  }
0x1d: {  	s5 =	simm.s32 @p1 $0x1;
	p0 =	seq.s32 s7, s2  }
0x1e: {  	s7 =	smul.u32 @!p0 $0xF7A, s2;
	p2 =	seq.s32 @!p0 s5, $0x0  }
0x1f: {  	s9 =	smul.u32 $0xF7A, s1;
	s8 =	simm.s32 @!p0 $0x1BF5;
	p2 =	por !p2, p0  }
0x20: {  	[sflag:s8] =	ssyncset.s32 @!p0 $0xFFFFF086;
	s6 =	sadd.s32 @!p0 s3, s7;
	s7 =	simm.s32 @!p0 $0x108  }
0x21: {  	s3 =	sadd.s32 s3, s9;
	s6 =	sadd.s32 @!p0 $0x88, s6;
	s7 =	simm.s32 @p2 $0x1082  }
0x22: {  	[simem:s7], [sflag:s8] =	dma.local @!p0 [hbm:s6], $0xF7A  }
0x23: {  	s9 =	sor.u32 $0xD0000000, s2;
	s6 =	simm.s32 $0x108;
	_ =	swait.ge @!p0 [sflag:s8], $0x0  }
0x24: {  	s3 =	sadd.s32 $0x88, s3;
	s6 =	simm.s32 @!p1 $0x1082;
	[sflag:s4] =	ssyncset.s32 $0xFFFFF086  }
0x25: {  	[simem:s6], [sflag:s4] =	dma.local [hbm:s3], $0xF7A  }
0x26: {  	[smem:$0x3F9F] =	sst s1;
	(tag) =	ssettag s2;
	_ =	strace s9  }
0x27: {  	s1 =	sld [smem:$0x3FAF]  }
0x28: {  	s2 =	sld [smem:$0x3FB0]  }
0x29: {  	s4 =	sld [smem:$0x3FB2]  }
0x2a: {  	p0 =	seq.s32 s5, $0x0;
	s5 =	sld [smem:$0x3FB3]  }
0x2b: {  	s6 =	sld [smem:$0x3FB4]  }
0x2c: {  	s7 =	sld [smem:$0x3FB5]  }
0x2d: {  	s3 =	simm.s32 $0x108;
	s8 =	sld [smem:$0x3FB6]  }
0x2e: {  	s3 =	simm.s32 @!p0 $0x1082;
	s9 =	sld [smem:$0x3FB7]  }
0x2f: {  	lr =	sadd.s32 s0, s3;
	s0 =	sld [smem:$0x3FAE]  }
0x30: {  	s3 =	sld [smem:$0x3FB1]  }
0x31: {  	[smem:$0x3FBA] =	sst s10  }
0x32: {  	s10 =	sld [smem:$0x3FB8];
	_ =	sdelay $0x3  }
0x33: {  	p0 =	seq.s32 s10, $0x1;
	s10 =	sld [smem:$0x3FBA];
	_ =	sdelay $0x3  }
0x34: {  	[smem:$0x3FBA] =	sst s10  }
0x35: {  	s10 =	sld [smem:$0x3FB9];
	_ =	sdelay $0x3  }
0x36: {  	p1 =	seq.s32 s10, $0x1;
	s10 =	sld [smem:$0x3FBA];
	_ =	sdelay $0x3  }
0x37: {  	[smem:$0x3FBA] =	sst s10  }
0x38: {  	s10 =	sld [smem:$0x3FBB]  }
0x39: {  	_ = 	snop;
	(pc) =	sbr.ind lr, $3  }
0x3a: {  	_ = 	snop  }
0x3b: {  	_ = 	snop  }
0x3c: {  	p2 =	seq.s32 s10, $0x1;
	s10 =	sld [smem:$0x3FBA]  }
0x3d: {  	_ =	shalt  }
0x3e: {  	_ =	shalt  }
0x3f: {  	_ =	shalt  }
0x40: {  	_ =	shalt  }
0x41: {  	_ =	shalt  }
0x42: {  	_ =	shalt  }
0x43: {  	_ =	shalt  }
0x44: {  	_ =	shalt  }
0x45: {  	_ =	shalt  }
0x46: {  	_ =	shalt  }
0x47: {  	_ =	shalt  }
0x48: {  	_ =	shalt  }
0x49: {  	_ =	shalt  }
0x4a: {  	_ =	shalt  }
0x4b: {  	_ =	shalt  }
0x4c: {  	_ =	shalt  }
0x4d: {  	_ =	shalt  }
0x4e: {  	_ =	shalt  }
0x4f: {  	_ =	shalt  }
0x50: {  	_ =	shalt  }
0x51: {  	_ =	shalt  }
0x52: {  	_ =	shalt  }
0x53: {  	_ =	shalt  }
0x54: {  	_ =	shalt  }
0x55: {  	_ =	shalt  }
0x56: {  	_ =	shalt  }
0x57: {  	_ =	shalt  }
0x58: {  	_ =	shalt  }
0x59: {  	_ =	shalt  }
0x5a: {  	_ =	shalt  }
0x5b: {  	_ =	shalt  }
0x5c: {  	_ =	shalt  }
0x5d: {  	_ =	shalt  }
0x5e: {  	_ =	shalt  }
0x5f: {  	_ =	shalt  }
0x60: {  	_ =	shalt  }
0x61: {  	_ =	shalt  }
0x62: {  	_ =	shalt  }
0x63: {  	_ =	shalt  }
0x64: {  	_ =	shalt  }
0x65: {  	_ =	shalt  }
0x66: {  	_ =	shalt  }
0x67: {  	_ =	shalt  }
0x68: {  	_ =	shalt  }
0x69: {  	_ =	shalt  }
0x6a: {  	_ =	shalt  }
0x6b: {  	_ =	shalt  }
0x6c: {  	_ =	shalt  }
0x6d: {  	_ =	shalt  }
0x6e: {  	_ =	shalt  }
0x6f: {  	_ =	shalt  }
0x70: {  	_ =	shalt  }
0x71: {  	_ =	shalt  }
0x72: {  	_ =	shalt  }
0x73: {  	_ =	shalt  }
0x74: {  	_ =	shalt  }
0x75: {  	_ =	shalt  }
0x76: {  	_ =	shalt  }
0x77: {  	_ =	shalt  }
0x78: {  	_ =	shalt  }
0x79: {  	_ =	shalt  }
0x7a: {  	_ =	shalt  }
0x7b: {  	_ =	shalt  }
0x7c: {  	_ =	shalt  }
0x7d: {  	_ =	shalt  }
0x7e: {  	_ =	shalt  }
0x7f: {  	_ =	shalt  }
0x80: {  	_ =	shalt  }
0x81: {  	_ =	shalt  }
0x82: {  	_ =	shalt  }
0x83: {  	_ =	shalt  }
0x84: {  	_ =	shalt  }
0x85: {  	_ =	shalt  }
0x86: {  	_ =	shalt  }
0x87: {  	_ =	shalt  }
.Lfunc_end0:
.L_simem_size_0:
called_computation_lowered:
.L_overlay_start_0:
0x88: {  	s2 =	sld [smem:$0x3FD9]  }
0x89: {  	s3 =	sld [smem:$0x3FFE];
	_ =	sdelay $0x1  }
0x8a: {  	s1 =	srdreg.scid  }
0x8b: {  	s0 =	sand.u32 $0x1, s1  }
0x8c: {  	s18 =	sshll.u32 s0, $0xA;
	s2 =	sadd.s32 s3, s2  }
0x8d: {  	s2 =	sadd.s32 s2, s18  }
0x8e: {  	[smem:$0x3FC6] =	sst s2  }
0x8f: {  	_ = 	snop  }
0x90: {  	s2 =	sld [smem:$0x3FC9]  }
0x91: {  	s19 =	sld [smem:$0x3FC8]  }
0x92: {  	s4 =	sld [smem:$0x3FD0];
	(tm) =	ssettm $0x1  }
0x93: {  	s5 =	sld [smem:$0x3FFB];
	_ =	sdelay $0x3  }
0x94: {  	_ =	strace s5  }
0x95: {  	s5 =	sld [smem:$0x3FFC];
	_ =	sdelay $0x3  }
0x96: {  	_ =	strace s5  }
0x97: {  	s5 =	sld [smem:$0x3FFD];
	_ =	sdelay $0x3  }
0x98: {  	_ =	strace s5  }
0x99: {  	_ =	strace $0x8FFFFFFF  }
0x9a: {  	s20 =	sld [smem:$0x3FDB];
	_ =	sdelay $0x1  }
0x9b: {  	s6 =	simm.s32 $_scs_section_size  }
0x9c: {  	s7 =	simm.s32 $_size__tile_overlayer_lowered;
	s8 =	simm.s32 $_tile_overlayer_lowered  }
0x9d: {  	s23 =	simm.s32 $0x1BFF;
	s22 =	sshll.u32 s8, $0x1;
	s5 =	sadd.s32 s6, s20  }
0x9e: {  	s9 =	simm.s32 $0x0;
	s21 =	sshll.u32 s7, $0x1;
	s7 =	sadd.s32 s22, s5  }
0x9f: {  	[timem:s9], [sflag:s23] =	dma.local [hbm:s7], s21  }
0xa0: {  	_ =	swait.ge [sflag:s23], s21  }
0xa1: {  	s6 =	ssub.s32 $0x0, s21;
	[sflag:s23] =	ssyncset.done $0x0  }
0xa2: {  	[sflag:s23] =	ssyncadd.s32 s6;
	_ =	sdelay $0x1  }
0xa3: {  	s24 =	simm.s32 $0x1B8B  }
0xa4: {  	_ =	swait.ge [sflag:s24], $0x1  }
0xa5: {  	[sflag:s24] =	ssyncset.done $0x0  }
0xa6: {  	s25 =	simm.s32 $0x1B8E;
	[sflag:s24] =	ssyncadd.s32 $0xFFFFFFFF  }
0xa7: {  	s26 =	simm.s32 $execute0_lowered;
	[smem:$0x3FD2] =	sst s25  }
0xa8: {  	s6 =	sshll.u32 s26, $0x1;
	_ =	strace $0x80000046;
	[dreg:$0x1] =	wrdreg $0xFFFFFFFF  }
0xa9: {  	s28 =	simm.s32 $_size_execute0_lowered;
	s5 =	sadd.s32 s5, s6;
	[dreg:$0x0] =	wrdreg $0x0  }
0xaa: {  	s6 =	sshll.u32 s28, $0x1;
	[dreg:$0x2] =	wrdreg s5  }
0xab: {  	[dreg:$0x3] =	wrdreg s6  }
0xac: {  	[dreg:$0x4] =	wrdreg $0xC0  }
0xad: {  	_ =	task [dreg:s9], $0x5FFFF  }
0xae: {  	[dreg:$0x1] =	wrdreg $0xFFFFFFFF  }
0xaf: {  	[dreg:$0x0] =	wrdreg $0x60  }
0xb0: {  	[dreg:$0x2] =	wrdreg s19  }
0xb1: {  	[dreg:$0x3] =	wrdreg s2  }
0xb2: {  	[dreg:$0x4] =	wrdreg s4  }
0xb3: {  	[dreg:$0x5] =	wrdreg $0x9  }
0xb4: {  	_ =	task.clear_ibuf [dreg:s9], $0x6FFFF;
	_ =	strace $0x90000046  }
0xb5: {  	s29 =	simm.s32 $0x9;
	_ =	strace $0x80000048  }
0xb6: {  	_ =	swait.ge [sflag:s29], $0x1  }
0xb7: {  	[sflag:s29] =	ssyncadd.s32 $0xFFFFFFFF  }
0xb8: {  	_ =	strace $0x90000048  }
0xb9: {  	_ =	sfence  }
0xba: {  	s30 =	sld [smem:$0x0];
	_ =	sdelay $0x2  }
0xbb: {  	s31 =	sshll.u32 s1, $0xD;
	s1 =	sshrl.u32 s1, $0x2  }
0xbc: {  	s3 =	sand.u32 $0x4000, s31;
	s1 =	sadd.s32 s1, s30  }
0xbd: {  	s0 =	sor.u32 s3, s0;
	s1 =	sshll.u32 s1, $0x11  }
0xbe: {  	s0 =	sor.u32 s1, s0  }
0xbf: {  	s0 =	sadd.s32 $0x8F2B, s0  }
0xc0: {  	[sflag:s0] =	ssyncadd.remote.s32 $0x1  }
0xc1: {  	_ =	sfence.sel $0xFFFF  }
0xc2: {  	[dreg:$0x0] =	wrdreg $0xFFFFFFFF;
	(pc) =	sbr.abs _section_cstart, $3  }
0xc3: {  	[dreg:$0x1] =	wrdreg $0xFFFFFFFF  }
0xc4: {  	_ =	task.clear_ibuf [dreg:s9], $0x2FFFF;
	_ =	strace $0x9FFFFFFF  }
0xc5: {  	(tm) =	ssettm $0x7FFFFFFF  }
tec
execute0_lowered:
.L_overlay_start_1:
0x0: {  	(tag) =	ssettag $0x1  }
0x1: {  	s2 =	rddreg [dreg:$0x0]  }
0x2: {  	s3 =	rddreg [dreg:$0x1]  }
0x3: {  	s4 =	rddreg [dreg:$0x2]  }
0x4: {  	s0 =	srdreg.scid;
	s1 =	stileid.u32  }
0x5: {  	s5 =	simm.s32 $0x0;
	s17 =	simm.s32 $0x80;
	s18 =	simm.s32 $0x400  }
0x6: {  	s20 =	simm.s32 $0x3;
	s0 =	sand.u32 $0x1, s0;
	s6 =	sshll.u32 s1, $0x1  }
0x7: {  	s21 =	simm.s32 $0x1C700;
	s7 =	ssub.s32 $0x2, s0;
	s0 =	sor.u32 s0, s6  }
0x8: {  	s22 =	simm.s32 $0x1D700;
	[smem:$0x7FF] =	sst s5;
	s6 =	smul.u32 $0x1A, s0  }
0x9: {  	s23 =	simm.s32 $0x1;
	_ =	strace $0x80000047;
	s8 =	sshrl.u32 s7, $0x1  }
0xa: {  	s24 =	ssub.s32 s7, s8;
	s25 =	sshrl.u32 s6, $0x5;
	s26 =	sshll.u32 s6, $0x6  }
0xb: {  	s9 =	sand.u32 $0x18, s6;
	s10 =	sshrl.u32 s6, $0x1;
	s13 =	sshll.u32 s6, $0x7  }
0xc: {  	s16 =	smax.u32 s24, $0x1;
	s24 =	simm.s32 $0x2;
	s9 =	sshrl.u32 s9, $0x3  }
0xd: {  	s11 =	smul.u32 $0x30E000, s25;
	s8 =	sand.u32 $0xC000, s26;
	s10 =	sand.u32 $0x70, s10  }
0xe: {  	s7 =	sshll.u32 s25, $0x13;
	s13 =	sand.u32 $0x300, s13;
	s12 =	smul.u32 $0xC3800, s9  }
0xf: {  	s25 =	simm.s32 $0x0;
	s9 =	sshll.u32 s9, $0x11;
	s28 =	sadd.s32 s3, s10  }
0x10: {  	s10 =	sadd.s32 $0x1000, s4;
	s7 =	sor.u32 s7, s9;
	s11 =	sadd.s32 s11, s12  }
0x11: {  	s30 =	sor.u32 s13, s7;
	s7 =	sadd.s32 s8, s28;
	s12 =	sadd.s32 $0x2000, s4  }
0x12: {  	s29 =	sor.u32 s13, s11;
	s15 =	sshrl.u32 s30, $0x3;
	s13 =	sadd.s32 $0x3000, s4  }
0x13: {  	s31 =	sshrl.u32 s29, $0x3;
	s9 =	sadd.s32 s4, s15;
	s11 =	sadd.s32 s15, s10  }
0x14: {  	s14 =	sadd.s32 s15, s12;
	s15 =	sadd.s32 s15, s13;
	s8 =	sadd.s32 s2, s31  }
.LBB2_1:
0x15: {  	s0 =	simm.s32 $0x18700  }
0x16: {  	[tilespmem:s0], [sflag:$0x3] =	stream.strided.gather [hbm4b:s7+s17], $0x4000, s18, s17, $0x38;
	[tilespmem:$0x1E700] =	vst v63  }
0x17: {  	_ =	swait.ge [sflag:s20], $0x4000  }
0x18: {  	[sflag:s20] =	ssyncset.done $0x0  }
0x19: {  	[sflag:s20] =	ssyncadd.s32 $0xFFFFC000  }
0x1a: {  	[tilespmem:s5], [sflag:$0x3] =	stream.strided.gather [hbm4b:s8+s17], $0x18700, s18, s17, $0x38;
	[tilespmem:$0x1E700] =	vst v63  }
0x1b: {  	_ =	swait.ge [sflag:s20], $0x18700  }
0x1c: {  	[sflag:s20] =	ssyncset.done $0x0  }
0x1d: {  	s31 =	simm.s32 $0x18740;
	[sflag:s20] =	ssyncadd.s32 $0xFFFE7900  }
0x1e: {  	v0 =	vld [tilespmem:s31+$0x30]  }
0x1f: {  	v1 =	vld [tilespmem:s31+$0xFFFFFFD0]  }
0x20: {  	v2 =	vld [tilespmem:s31+$0xFFFFFFE0]  }
0x21: {  	v3 =	vld [tilespmem:s31+$0xFFFFFFF0]  }
0x22: {  	v4 =	vld [tilespmem:s31+$0x0]  }
0x23: {  	v6 =	vld [tilespmem:s31+$0x10]  }
0x24: {  	v7 =	vld [tilespmem:s31+$0x20]  }
0x25: {  	v8 =	vld [tilespmem:s31+$0xFFFFFFC0]  }
0x26: {  	v9 =	vld.idx.msk [tilespmem:v0+s5+$0x0], $0xffff  }
0x27: {  	v10 =	vld.idx.msk [tilespmem:v1+s5+$0x0], $0xffff  }
0x28: {  	v5 =	vld.idx.msk [tilespmem:v2+s5+$0x0], $0xffff  }
0x29: {  	v3 =	vld.idx.msk [tilespmem:v3+s5+$0x0], $0xffff  }
0x2a: {  	v0 =	vld.idx.msk [tilespmem:v4+s5+$0x0], $0xffff  }
0x2b: {  	s26 =	simm.s32 $0x1C740;
	v1 =	vld.idx.msk [tilespmem:v6+s5+$0x0], $0xffff  }
0x2c: {  	v2 =	vld.idx.msk [tilespmem:v7+s5+$0x0], $0xffff;
	[tilespmem:s26+$0x30] =	vst v9  }
0x2d: {  	s28 =	simm.s32 $0x0;
	s29 =	simm.s32 $0x187C0;
	v4 =	vld.idx.msk [tilespmem:v8+s5+$0x0], $0xffff;
	[tilespmem:s26+$0xFFFFFFD0] =	vst v10  }
.LBB2_2:
0x2e: {  	v6 =	vld [tilespmem:s29+$0x30];
	s28 =	sadd.s32 $0x8, s28;
	[tilespmem:s26+$0xFFFFFFE0] =	vst v5  }
0x2f: {  	v5 =	vld [tilespmem:s29+$0xFFFFFFD0];
	p0 =	slt.u32 s28, $0xF8;
	[tilespmem:s26+$0xFFFFFFF0] =	vst v3  }
0x30: {  	v3 =	vld [tilespmem:s29+$0xFFFFFFE0];
	[tilespmem:s26+$0x0] =	vst v0  }
0x31: {  	v0 =	vld [tilespmem:s29+$0xFFFFFFF0];
	[tilespmem:s26+$0x10] =	vst v1  }
0x32: {  	v1 =	vld [tilespmem:s29+$0x0];
	[tilespmem:s26+$0x20] =	vst v2  }
0x33: {  	v2 =	vld [tilespmem:s29+$0x10];
	[tilespmem:s26+$0xFFFFFFC0] =	vst v4  }
0x34: {  	v4 =	vld [tilespmem:s29+$0x20]  }
0x35: {  	v7 =	vld [tilespmem:s29+$0xFFFFFFC0]  }
0x36: {  	v6 =	vld.idx.msk [tilespmem:v6+s5+$0x0], $0xffff  }
0x37: {  	v8 =	vld.idx.msk [tilespmem:v5+s5+$0x0], $0xffff  }
0x38: {  	v5 =	vld.idx.msk [tilespmem:v3+s5+$0x0], $0xffff  }
.Ltmp0:
0x39: {  	v3 =	vld.idx.msk [tilespmem:v0+s5+$0x0], $0xffff;
	(pc) =	sbr.rel @p0 .LBB2_2-.Ltmp0, $4  }
0x3a: {  	v0 =	vld.idx.msk [tilespmem:v1+s5+$0x0], $0xffff  }
0x3b: {  	s26 =	sadd.s32 $0x80, s26;
	v1 =	vld.idx.msk [tilespmem:v2+s5+$0x0], $0xffff  }
0x3c: {  	v2 =	vld.idx.msk [tilespmem:v4+s5+$0x0], $0xffff;
	[tilespmem:s26+$0x30] =	vst v6  }
0x3d: {  	s29 =	sadd.s32 $0x80, s29;
	v4 =	vld.idx.msk [tilespmem:v7+s5+$0x0], $0xffff;
	[tilespmem:s26+$0xFFFFFFD0] =	vst v8  }
0x3e: {  	[tilespmem:s26+$0xFFFFFFE0] =	vst v5  }
0x3f: {  	[tilespmem:s26+$0xFFFFFFF0] =	vst v3  }
0x40: {  	[tilespmem:s26+$0x0] =	vst v0  }
0x41: {  	[tilespmem:s26+$0x10] =	vst v1  }
0x42: {  	[tilespmem:s26+$0x20] =	vst v2  }
0x43: {  	s0 =	simm.s32 $0x19770;
	[tilespmem:s26+$0xFFFFFFC0] =	vst v4  }
0x44: {  	[hbm4b:s9+s17] =	stream.strided.scatter [tilespmem:s21], [sflag:$0x1], $0x1000, s18, s17, $0x38;
	[tilespmem:$0x1E700] =	vst v63  }
0x45: {  	v0 =	vld [tilespmem:s0+$0x0]  }
0x46: {  	v1 =	vld [tilespmem:s0+$0xFFFFFFA0]  }
0x47: {  	v2 =	vld [tilespmem:s0+$0xFFFFFFB0]  }
0x48: {  	v3 =	vld [tilespmem:s0+$0xFFFFFFC0]  }
0x49: {  	v4 =	vld [tilespmem:s0+$0xFFFFFFD0]  }
0x4a: {  	v6 =	vld [tilespmem:s0+$0xFFFFFFE0]  }
0x4b: {  	v7 =	vld [tilespmem:s0+$0xFFFFFFF0]  }
0x4c: {  	v8 =	vld [tilespmem:s0+$0xFFFFFF90]  }
0x4d: {  	v9 =	vld.idx.msk [tilespmem:v0+s5+$0x0], $0xffff  }
0x4e: {  	v10 =	vld.idx.msk [tilespmem:v1+s5+$0x0], $0xffff  }
0x4f: {  	v5 =	vld.idx.msk [tilespmem:v2+s5+$0x0], $0xffff  }
0x50: {  	v3 =	vld.idx.msk [tilespmem:v3+s5+$0x0], $0xffff  }
0x51: {  	v0 =	vld.idx.msk [tilespmem:v4+s5+$0x0], $0xffff  }
0x52: {  	s26 =	simm.s32 $0x1D740;
	v1 =	vld.idx.msk [tilespmem:v6+s5+$0x0], $0xffff  }
0x53: {  	v2 =	vld.idx.msk [tilespmem:v7+s5+$0x0], $0xffff;
	[tilespmem:s26+$0x30] =	vst v9  }
0x54: {  	s28 =	simm.s32 $0x0;
	s29 =	simm.s32 $0x197F0;
	v4 =	vld.idx.msk [tilespmem:v8+s5+$0x0], $0xffff;
	[tilespmem:s26+$0xFFFFFFD0] =	vst v10  }
.LBB2_4:
0x55: {  	v6 =	vld [tilespmem:s29+$0x0];
	s28 =	sadd.s32 $0x8, s28;
	[tilespmem:s26+$0xFFFFFFE0] =	vst v5  }
0x56: {  	v5 =	vld [tilespmem:s29+$0xFFFFFFA0];
	p0 =	slt.u32 s28, $0xF8;
	[tilespmem:s26+$0xFFFFFFF0] =	vst v3  }
0x57: {  	v3 =	vld [tilespmem:s29+$0xFFFFFFB0];
	[tilespmem:s26+$0x0] =	vst v0  }
0x58: {  	v0 =	vld [tilespmem:s29+$0xFFFFFFC0];
	[tilespmem:s26+$0x10] =	vst v1  }
0x59: {  	v1 =	vld [tilespmem:s29+$0xFFFFFFD0];
	[tilespmem:s26+$0x20] =	vst v2  }
0x5a: {  	v2 =	vld [tilespmem:s29+$0xFFFFFFE0];
	[tilespmem:s26+$0xFFFFFFC0] =	vst v4  }
0x5b: {  	v4 =	vld [tilespmem:s29+$0xFFFFFFF0]  }
0x5c: {  	v7 =	vld [tilespmem:s29+$0xFFFFFF90]  }
0x5d: {  	v6 =	vld.idx.msk [tilespmem:v6+s5+$0x0], $0xffff  }
0x5e: {  	v8 =	vld.idx.msk [tilespmem:v5+s5+$0x0], $0xffff  }
0x5f: {  	v5 =	vld.idx.msk [tilespmem:v3+s5+$0x0], $0xffff  }
.Ltmp1:
0x60: {  	v3 =	vld.idx.msk [tilespmem:v0+s5+$0x0], $0xffff;
	(pc) =	sbr.rel @p0 .LBB2_4-.Ltmp1, $4  }
0x61: {  	v0 =	vld.idx.msk [tilespmem:v1+s5+$0x0], $0xffff  }
0x62: {  	s26 =	sadd.s32 $0x80, s26;
	v1 =	vld.idx.msk [tilespmem:v2+s5+$0x0], $0xffff  }
0x63: {  	v2 =	vld.idx.msk [tilespmem:v4+s5+$0x0], $0xffff;
	[tilespmem:s26+$0x30] =	vst v6  }
0x64: {  	s29 =	sadd.s32 $0x80, s29;
	v4 =	vld.idx.msk [tilespmem:v7+s5+$0x0], $0xffff;
	[tilespmem:s26+$0xFFFFFFD0] =	vst v8  }
0x65: {  	[tilespmem:s26+$0xFFFFFFE0] =	vst v5  }
0x66: {  	[tilespmem:s26+$0xFFFFFFF0] =	vst v3  }
0x67: {  	[tilespmem:s26+$0x0] =	vst v0  }
0x68: {  	[tilespmem:s26+$0x10] =	vst v1  }
0x69: {  	[tilespmem:s26+$0x20] =	vst v2  }
0x6a: {  	[tilespmem:s26+$0xFFFFFFC0] =	vst v4  }
0x6b: {  	[hbm4b:s11+s17] =	stream.strided.scatter [tilespmem:s22], [sflag:$0x2], $0x1000, s18, s17, $0x38;
	[tilespmem:$0x1E700] =	vst v63  }
0x6c: {  	_ =	swait.ge [sflag:s23], $0x1000  }
0x6d: {  	[sflag:s23] =	ssyncset.done $0x0  }
0x6e: {  	s0 =	simm.s32 $0x1A770;
	[sflag:s23] =	ssyncadd.s32 $0xFFFFF000  }
0x6f: {  	v0 =	vld [tilespmem:s0+$0x0]  }
0x70: {  	v1 =	vld [tilespmem:s0+$0xFFFFFFA0]  }
0x71: {  	v2 =	vld [tilespmem:s0+$0xFFFFFFB0]  }
0x72: {  	v3 =	vld [tilespmem:s0+$0xFFFFFFC0]  }
0x73: {  	v4 =	vld [tilespmem:s0+$0xFFFFFFD0]  }
0x74: {  	v6 =	vld [tilespmem:s0+$0xFFFFFFE0]  }
0x75: {  	v7 =	vld [tilespmem:s0+$0xFFFFFFF0]  }
0x76: {  	v8 =	vld [tilespmem:s0+$0xFFFFFF90]  }
0x77: {  	v9 =	vld.idx.msk [tilespmem:v0+s5+$0x0], $0xffff  }
0x78: {  	v10 =	vld.idx.msk [tilespmem:v1+s5+$0x0], $0xffff  }
0x79: {  	v5 =	vld.idx.msk [tilespmem:v2+s5+$0x0], $0xffff  }
0x7a: {  	v3 =	vld.idx.msk [tilespmem:v3+s5+$0x0], $0xffff  }
0x7b: {  	v0 =	vld.idx.msk [tilespmem:v4+s5+$0x0], $0xffff  }
0x7c: {  	s26 =	simm.s32 $0x1C740;
	v1 =	vld.idx.msk [tilespmem:v6+s5+$0x0], $0xffff  }
0x7d: {  	v2 =	vld.idx.msk [tilespmem:v7+s5+$0x0], $0xffff;
	[tilespmem:s26+$0x30] =	vst v9  }
0x7e: {  	s28 =	simm.s32 $0x0;
	s29 =	simm.s32 $0x1A7F0;
	v4 =	vld.idx.msk [tilespmem:v8+s5+$0x0], $0xffff;
	[tilespmem:s26+$0xFFFFFFD0] =	vst v10  }
.LBB2_6:
0x7f: {  	v6 =	vld [tilespmem:s29+$0x0];
	s28 =	sadd.s32 $0x8, s28;
	[tilespmem:s26+$0xFFFFFFE0] =	vst v5  }
0x80: {  	v5 =	vld [tilespmem:s29+$0xFFFFFFA0];
	p0 =	slt.u32 s28, $0xF8;
	[tilespmem:s26+$0xFFFFFFF0] =	vst v3  }
0x81: {  	v3 =	vld [tilespmem:s29+$0xFFFFFFB0];
	[tilespmem:s26+$0x0] =	vst v0  }
0x82: {  	v0 =	vld [tilespmem:s29+$0xFFFFFFC0];
	[tilespmem:s26+$0x10] =	vst v1  }
0x83: {  	v1 =	vld [tilespmem:s29+$0xFFFFFFD0];
	[tilespmem:s26+$0x20] =	vst v2  }
0x84: {  	v2 =	vld [tilespmem:s29+$0xFFFFFFE0];
	[tilespmem:s26+$0xFFFFFFC0] =	vst v4  }
0x85: {  	v4 =	vld [tilespmem:s29+$0xFFFFFFF0]  }
0x86: {  	v7 =	vld [tilespmem:s29+$0xFFFFFF90]  }
0x87: {  	v6 =	vld.idx.msk [tilespmem:v6+s5+$0x0], $0xffff  }
0x88: {  	v8 =	vld.idx.msk [tilespmem:v5+s5+$0x0], $0xffff  }
0x89: {  	v5 =	vld.idx.msk [tilespmem:v3+s5+$0x0], $0xffff  }
.Ltmp2:
0x8a: {  	v3 =	vld.idx.msk [tilespmem:v0+s5+$0x0], $0xffff;
	(pc) =	sbr.rel @p0 .LBB2_6-.Ltmp2, $4  }
0x8b: {  	v0 =	vld.idx.msk [tilespmem:v1+s5+$0x0], $0xffff  }
0x8c: {  	s26 =	sadd.s32 $0x80, s26;
	v1 =	vld.idx.msk [tilespmem:v2+s5+$0x0], $0xffff  }
0x8d: {  	v2 =	vld.idx.msk [tilespmem:v4+s5+$0x0], $0xffff;
	[tilespmem:s26+$0x30] =	vst v6  }
0x8e: {  	s29 =	sadd.s32 $0x80, s29;
	v4 =	vld.idx.msk [tilespmem:v7+s5+$0x0], $0xffff;
	[tilespmem:s26+$0xFFFFFFD0] =	vst v8  }
0x8f: {  	[tilespmem:s26+$0xFFFFFFE0] =	vst v5  }
0x90: {  	[tilespmem:s26+$0xFFFFFFF0] =	vst v3  }
0x91: {  	[tilespmem:s26+$0x0] =	vst v0  }
0x92: {  	[tilespmem:s26+$0x10] =	vst v1  }
0x93: {  	[tilespmem:s26+$0x20] =	vst v2  }
0x94: {  	[tilespmem:s26+$0xFFFFFFC0] =	vst v4  }
0x95: {  	[hbm4b:s14+s17] =	stream.strided.scatter [tilespmem:s21], [sflag:$0x1], $0x1000, s18, s17, $0x38;
	[tilespmem:$0x1E700] =	vst v63  }
0x96: {  	_ =	swait.ge [sflag:s24], $0x1000  }
0x97: {  	[sflag:s24] =	ssyncset.done $0x0  }
0x98: {  	s0 =	simm.s32 $0x1B770;
	[sflag:s24] =	ssyncadd.s32 $0xFFFFF000  }
0x99: {  	v0 =	vld [tilespmem:s0+$0x0]  }
0x9a: {  	v1 =	vld [tilespmem:s0+$0xFFFFFFA0]  }
0x9b: {  	v2 =	vld [tilespmem:s0+$0xFFFFFFB0]  }
0x9c: {  	v3 =	vld [tilespmem:s0+$0xFFFFFFC0]  }
0x9d: {  	v4 =	vld [tilespmem:s0+$0xFFFFFFD0]  }
0x9e: {  	v6 =	vld [tilespmem:s0+$0xFFFFFFE0]  }
0x9f: {  	v7 =	vld [tilespmem:s0+$0xFFFFFFF0]  }
0xa0: {  	v8 =	vld [tilespmem:s0+$0xFFFFFF90]  }
0xa1: {  	v9 =	vld.idx.msk [tilespmem:v0+s5+$0x0], $0xffff  }
0xa2: {  	v10 =	vld.idx.msk [tilespmem:v1+s5+$0x0], $0xffff  }
0xa3: {  	v5 =	vld.idx.msk [tilespmem:v2+s5+$0x0], $0xffff  }
0xa4: {  	v3 =	vld.idx.msk [tilespmem:v3+s5+$0x0], $0xffff  }
0xa5: {  	v0 =	vld.idx.msk [tilespmem:v4+s5+$0x0], $0xffff  }
0xa6: {  	s26 =	simm.s32 $0x1D740;
	v1 =	vld.idx.msk [tilespmem:v6+s5+$0x0], $0xffff  }
0xa7: {  	v2 =	vld.idx.msk [tilespmem:v7+s5+$0x0], $0xffff;
	[tilespmem:s26+$0x30] =	vst v9  }
0xa8: {  	s28 =	simm.s32 $0x0;
	s29 =	simm.s32 $0x1B7F0;
	v4 =	vld.idx.msk [tilespmem:v8+s5+$0x0], $0xffff;
	[tilespmem:s26+$0xFFFFFFD0] =	vst v10  }
.LBB2_8:
0xa9: {  	v6 =	vld [tilespmem:s29+$0x0];
	s28 =	sadd.s32 $0x8, s28;
	[tilespmem:s26+$0xFFFFFFE0] =	vst v5  }
0xaa: {  	v5 =	vld [tilespmem:s29+$0xFFFFFFA0];
	p0 =	slt.u32 s28, $0xF8;
	[tilespmem:s26+$0xFFFFFFF0] =	vst v3  }
0xab: {  	v3 =	vld [tilespmem:s29+$0xFFFFFFB0];
	[tilespmem:s26+$0x0] =	vst v0  }
0xac: {  	v0 =	vld [tilespmem:s29+$0xFFFFFFC0];
	[tilespmem:s26+$0x10] =	vst v1  }
0xad: {  	v1 =	vld [tilespmem:s29+$0xFFFFFFD0];
	[tilespmem:s26+$0x20] =	vst v2  }
0xae: {  	v2 =	vld [tilespmem:s29+$0xFFFFFFE0];
	[tilespmem:s26+$0xFFFFFFC0] =	vst v4  }
0xaf: {  	v4 =	vld [tilespmem:s29+$0xFFFFFFF0]  }
0xb0: {  	v7 =	vld [tilespmem:s29+$0xFFFFFF90]  }
0xb1: {  	v6 =	vld.idx.msk [tilespmem:v6+s5+$0x0], $0xffff  }
0xb2: {  	v8 =	vld.idx.msk [tilespmem:v5+s5+$0x0], $0xffff  }
0xb3: {  	v5 =	vld.idx.msk [tilespmem:v3+s5+$0x0], $0xffff  }
.Ltmp3:
0xb4: {  	v3 =	vld.idx.msk [tilespmem:v0+s5+$0x0], $0xffff;
	(pc) =	sbr.rel @p0 .LBB2_8-.Ltmp3, $4  }
0xb5: {  	v0 =	vld.idx.msk [tilespmem:v1+s5+$0x0], $0xffff  }
0xb6: {  	s26 =	sadd.s32 $0x80, s26;
	v1 =	vld.idx.msk [tilespmem:v2+s5+$0x0], $0xffff  }
0xb7: {  	v2 =	vld.idx.msk [tilespmem:v4+s5+$0x0], $0xffff;
	[tilespmem:s26+$0x30] =	vst v6  }
0xb8: {  	s29 =	sadd.s32 $0x80, s29;
	v4 =	vld.idx.msk [tilespmem:v7+s5+$0x0], $0xffff;
	[tilespmem:s26+$0xFFFFFFD0] =	vst v8  }
0xb9: {  	[tilespmem:s26+$0xFFFFFFE0] =	vst v5  }
0xba: {  	[tilespmem:s26+$0xFFFFFFF0] =	vst v3  }
0xbb: {  	[tilespmem:s26+$0x0] =	vst v0  }
0xbc: {  	[tilespmem:s26+$0x10] =	vst v1  }
0xbd: {  	[tilespmem:s26+$0x20] =	vst v2  }
0xbe: {  	[tilespmem:s26+$0xFFFFFFC0] =	vst v4;
	s26 =	simm.s32 $0x1  }
0xbf: {  	[hbm4b:s15+s17] =	stream.strided.scatter [tilespmem:s22], [sflag:$0x2], $0x1000, s18, s17, $0x38;
	[tilespmem:$0x1E700] =	vst v63  }
.LBB2_10:
0xc0: {  	s0 =	sadd.s32 s6, s26  }
0xc1: {  	s28 =	sshrl.u32 s0, $0x5;
	s29 =	sand.u32 $0x1F, s0  }
0xc2: {  	s30 =	sshrl.u32 s29, $0x3;
	s31 =	smul.u32 $0x30E000, s28  }
0xc3: {  	s1 =	smul.u32 $0xC3800, s30  }
0xc4: {  	s0 =	sshll.u32 s0, $0x7  }
0xc5: {  	s0 =	sand.u32 $0x380, s0;
	s1 =	sadd.s32 s31, s1  }
0xc6: {  	s1 =	sor.u32 s0, s1  }
0xc7: {  	s1 =	sshrl.u32 s1, $0x3  }
0xc8: {  	p0 =	sne.s32 s29, $0x0;
	s1 =	sadd.s32 s2, s1  }
0xc9: {  	[tilespmem:s5], [sflag:$0x3] =	stream.strided.gather [hbm4b:s1+s17], $0x18700, s18, s17, $0x38;
	[tilespmem:$0x1E700] =	vst v63  }
0xca: {  	s29 =	sshll.u32 @!p0 s28, $0xB;
	s19 =	simm.s32 @!p0 $0x18700;
	s1 =	sshll.u32 @!p0 s28, $0x4  }
0xcb: {  	s29 =	sand.u32 @!p0 $0xFFFC000, s29;
	_ =	swait.ge [sflag:s20], $0x18700;
	s1 =	sand.u32 @!p0 $0x70, s1  }
0xcc: {  	s31 =	simm.s32 @!p0 $0x400;
	[sflag:s20] =	ssyncset.done $0x0;
	s1 =	sadd.s32 @!p0 s3, s1  }
0xcd: {  	[sflag:s20] =	ssyncadd.s32 $0xFFFE7900;
	s1 =	sadd.s32 @!p0 s29, s1;
	s29 =	simm.s32 @!p0 $0x80  }
0xce: {  	[tilespmem:s19], [sflag:$0x3] =	stream.strided.gather @!p0 [hbm4b:s1+s29], $0x4000, s31, s29, $0x38;
	[tilespmem:$0x1E700] =	vst v63  }
0xcf: {  	s1 =	simm.s32 @!p0 $0x3  }
0xd0: {  	_ =	swait.ge @!p0 [sflag:s1], $0x4000  }
0xd1: {  	[sflag:s1] =	ssyncset.done @!p0 $0x0  }
0xd2: {  	[sflag:s1] =	ssyncadd.s32 @!p0 $0xFFFFC000  }
0xd3: {  	_ =	swait.ge [sflag:s23], $0x1000  }
0xd4: {  	[sflag:s23] =	ssyncset.done $0x0  }
0xd5: {  	s19 =	simm.s32 $0x18740;
	[sflag:s23] =	ssyncadd.s32 $0xFFFFF000  }
0xd6: {  	v0 =	vld [tilespmem:s19+$0x30]  }
0xd7: {  	v1 =	vld [tilespmem:s19+$0xFFFFFFD0]  }
0xd8: {  	v2 =	vld [tilespmem:s19+$0xFFFFFFE0]  }
0xd9: {  	v3 =	vld [tilespmem:s19+$0xFFFFFFF0]  }
0xda: {  	v4 =	vld [tilespmem:s19+$0x0]  }
0xdb: {  	v5 =	vld [tilespmem:s19+$0x10]  }
0xdc: {  	v6 =	vld [tilespmem:s19+$0x20]  }
0xdd: {  	v7 =	vld [tilespmem:s19+$0xFFFFFFC0]  }
0xde: {  	v8 =	vld.idx.msk [tilespmem:v0+s5+$0x0], $0xffff  }
0xdf: {  	v9 =	vld.idx.msk [tilespmem:v1+s5+$0x0], $0xffff  }
0xe0: {  	v0 =	vld.idx.msk [tilespmem:v2+s5+$0x0], $0xffff  }
0xe1: {  	s1 =	sshll.u32 s28, $0x13;
	s19 =	sshll.u32 s30, $0x11;
	v1 =	vld.idx.msk [tilespmem:v3+s5+$0x0], $0xffff  }
0xe2: {  	s1 =	sor.u32 s1, s19;
	v2 =	vld.idx.msk [tilespmem:v4+s5+$0x0], $0xffff  }
0xe3: {  	s29 =	simm.s32 $0x1C740;
	s0 =	sor.u32 s0, s1;
	v3 =	vld.idx.msk [tilespmem:v5+s5+$0x0], $0xffff  }
0xe4: {  	s28 =	sshrl.u32 s0, $0x3;
	v4 =	vld.idx.msk [tilespmem:v6+s5+$0x0], $0xffff;
	[tilespmem:s29+$0x30] =	vst v8  }
0xe5: {  	s31 =	simm.s32 $0x0;
	s0 =	simm.s32 $0x187C0;
	s30 =	sadd.s32 s4, s28;
	v5 =	vld.idx.msk [tilespmem:v7+s5+$0x0], $0xffff;
	[tilespmem:s29+$0xFFFFFFD0] =	vst v9  }
.LBB2_11:
0xe6: {  	v6 =	vld [tilespmem:s0+$0x30];
	s31 =	sadd.s32 $0x8, s31;
	[tilespmem:s29+$0xFFFFFFE0] =	vst v0  }
0xe7: {  	v0 =	vld [tilespmem:s0+$0xFFFFFFD0];
	p0 =	slt.u32 s31, $0xF8;
	[tilespmem:s29+$0xFFFFFFF0] =	vst v1  }
0xe8: {  	v1 =	vld [tilespmem:s0+$0xFFFFFFE0];
	[tilespmem:s29+$0x0] =	vst v2  }
0xe9: {  	v2 =	vld [tilespmem:s0+$0xFFFFFFF0];
	[tilespmem:s29+$0x10] =	vst v3  }
0xea: {  	v3 =	vld [tilespmem:s0+$0x0];
	[tilespmem:s29+$0x20] =	vst v4  }
0xeb: {  	v4 =	vld [tilespmem:s0+$0x10];
	[tilespmem:s29+$0xFFFFFFC0] =	vst v5  }
0xec: {  	v5 =	vld [tilespmem:s0+$0x20]  }
0xed: {  	v7 =	vld [tilespmem:s0+$0xFFFFFFC0]  }
0xee: {  	v6 =	vld.idx.msk [tilespmem:v6+s5+$0x0], $0xffff  }
0xef: {  	v8 =	vld.idx.msk [tilespmem:v0+s5+$0x0], $0xffff  }
0xf0: {  	v0 =	vld.idx.msk [tilespmem:v1+s5+$0x0], $0xffff  }
.Ltmp4:
0xf1: {  	v1 =	vld.idx.msk [tilespmem:v2+s5+$0x0], $0xffff;
	(pc) =	sbr.rel @p0 .LBB2_11-.Ltmp4, $4  }
0xf2: {  	v2 =	vld.idx.msk [tilespmem:v3+s5+$0x0], $0xffff  }
0xf3: {  	s29 =	sadd.s32 $0x80, s29;
	v3 =	vld.idx.msk [tilespmem:v4+s5+$0x0], $0xffff  }
0xf4: {  	v4 =	vld.idx.msk [tilespmem:v5+s5+$0x0], $0xffff;
	[tilespmem:s29+$0x30] =	vst v6  }
0xf5: {  	s0 =	sadd.s32 $0x80, s0;
	v5 =	vld.idx.msk [tilespmem:v7+s5+$0x0], $0xffff;
	[tilespmem:s29+$0xFFFFFFD0] =	vst v8  }
0xf6: {  	[tilespmem:s29+$0xFFFFFFE0] =	vst v0  }
0xf7: {  	[tilespmem:s29+$0xFFFFFFF0] =	vst v1  }
0xf8: {  	[tilespmem:s29+$0x0] =	vst v2  }
0xf9: {  	[tilespmem:s29+$0x10] =	vst v3  }
0xfa: {  	[tilespmem:s29+$0x20] =	vst v4  }
0xfb: {  	[tilespmem:s29+$0xFFFFFFC0] =	vst v5  }
0xfc: {  	[hbm4b:s30+s17] =	stream.strided.scatter [tilespmem:s21], [sflag:$0x1], $0x1000, s18, s17, $0x38;
	[tilespmem:$0x1E700] =	vst v63  }
0xfd: {  	_ =	swait.ge [sflag:s24], $0x1000  }
0xfe: {  	[sflag:s24] =	ssyncset.done $0x0  }
0xff: {  	s0 =	simm.s32 $0x19770;
	[sflag:s24] =	ssyncadd.s32 $0xFFFFF000  }
0x100: {  	v0 =	vld [tilespmem:s0+$0x0]  }
0x101: {  	v1 =	vld [tilespmem:s0+$0xFFFFFFA0]  }
0x102: {  	v2 =	vld [tilespmem:s0+$0xFFFFFFB0]  }
0x103: {  	v3 =	vld [tilespmem:s0+$0xFFFFFFC0]  }
0x104: {  	v5 =	vld [tilespmem:s0+$0xFFFFFFD0]  }
0x105: {  	v6 =	vld [tilespmem:s0+$0xFFFFFFE0]  }
0x106: {  	v7 =	vld [tilespmem:s0+$0xFFFFFFF0]  }
0x107: {  	v8 =	vld [tilespmem:s0+$0xFFFFFF90]  }
0x108: {  	v9 =	vld.idx.msk [tilespmem:v0+s5+$0x0], $0xffff  }
0x109: {  	v10 =	vld.idx.msk [tilespmem:v1+s5+$0x0], $0xffff  }
0x10a: {  	v4 =	vld.idx.msk [tilespmem:v2+s5+$0x0], $0xffff  }
0x10b: {  	v3 =	vld.idx.msk [tilespmem:v3+s5+$0x0], $0xffff  }
0x10c: {  	v0 =	vld.idx.msk [tilespmem:v5+s5+$0x0], $0xffff  }
0x10d: {  	s29 =	simm.s32 $0x1D740;
	v1 =	vld.idx.msk [tilespmem:v6+s5+$0x0], $0xffff  }
0x10e: {  	v2 =	vld.idx.msk [tilespmem:v7+s5+$0x0], $0xffff;
	[tilespmem:s29+$0x30] =	vst v9  }
0x10f: {  	s31 =	simm.s32 $0x0;
	s30 =	sadd.s32 s28, s10;
	s0 =	simm.s32 $0x197F0;
	v5 =	vld.idx.msk [tilespmem:v8+s5+$0x0], $0xffff;
	[tilespmem:s29+$0xFFFFFFD0] =	vst v10  }
.LBB2_13:
0x110: {  	v6 =	vld [tilespmem:s0+$0x0];
	s31 =	sadd.s32 $0x8, s31;
	[tilespmem:s29+$0xFFFFFFE0] =	vst v4  }
0x111: {  	v4 =	vld [tilespmem:s0+$0xFFFFFFA0];
	p0 =	slt.u32 s31, $0xF8;
	[tilespmem:s29+$0xFFFFFFF0] =	vst v3  }
0x112: {  	v3 =	vld [tilespmem:s0+$0xFFFFFFB0];
	[tilespmem:s29+$0x0] =	vst v0  }
0x113: {  	v0 =	vld [tilespmem:s0+$0xFFFFFFC0];
	[tilespmem:s29+$0x10] =	vst v1  }
0x114: {  	v1 =	vld [tilespmem:s0+$0xFFFFFFD0];
	[tilespmem:s29+$0x20] =	vst v2  }
0x115: {  	v2 =	vld [tilespmem:s0+$0xFFFFFFE0];
	[tilespmem:s29+$0xFFFFFFC0] =	vst v5  }
0x116: {  	v5 =	vld [tilespmem:s0+$0xFFFFFFF0]  }
0x117: {  	v7 =	vld [tilespmem:s0+$0xFFFFFF90]  }
0x118: {  	v6 =	vld.idx.msk [tilespmem:v6+s5+$0x0], $0xffff  }
0x119: {  	v8 =	vld.idx.msk [tilespmem:v4+s5+$0x0], $0xffff  }
0x11a: {  	v4 =	vld.idx.msk [tilespmem:v3+s5+$0x0], $0xffff  }
.Ltmp5:
0x11b: {  	v3 =	vld.idx.msk [tilespmem:v0+s5+$0x0], $0xffff;
	(pc) =	sbr.rel @p0 .LBB2_13-.Ltmp5, $4  }
0x11c: {  	v0 =	vld.idx.msk [tilespmem:v1+s5+$0x0], $0xffff  }
0x11d: {  	s29 =	sadd.s32 $0x80, s29;
	v1 =	vld.idx.msk [tilespmem:v2+s5+$0x0], $0xffff  }
0x11e: {  	v2 =	vld.idx.msk [tilespmem:v5+s5+$0x0], $0xffff;
	[tilespmem:s29+$0x30] =	vst v6  }
0x11f: {  	s0 =	sadd.s32 $0x80, s0;
	v5 =	vld.idx.msk [tilespmem:v7+s5+$0x0], $0xffff;
	[tilespmem:s29+$0xFFFFFFD0] =	vst v8  }
0x120: {  	[tilespmem:s29+$0xFFFFFFE0] =	vst v4  }
0x121: {  	[tilespmem:s29+$0xFFFFFFF0] =	vst v3  }
0x122: {  	[tilespmem:s29+$0x0] =	vst v0  }
0x123: {  	[tilespmem:s29+$0x10] =	vst v1  }
0x124: {  	[tilespmem:s29+$0x20] =	vst v2  }
0x125: {  	[tilespmem:s29+$0xFFFFFFC0] =	vst v5  }
0x126: {  	[hbm4b:s30+s17] =	stream.strided.scatter [tilespmem:s22], [sflag:$0x2], $0x1000, s18, s17, $0x38;
	[tilespmem:$0x1E700] =	vst v63  }
0x127: {  	_ =	swait.ge [sflag:s23], $0x1000  }
0x128: {  	[sflag:s23] =	ssyncset.done $0x0  }
0x129: {  	s0 =	simm.s32 $0x1A770;
	[sflag:s23] =	ssyncadd.s32 $0xFFFFF000  }
0x12a: {  	v0 =	vld [tilespmem:s0+$0x0]  }
0x12b: {  	v1 =	vld [tilespmem:s0+$0xFFFFFFA0]  }
0x12c: {  	v2 =	vld [tilespmem:s0+$0xFFFFFFB0]  }
0x12d: {  	v3 =	vld [tilespmem:s0+$0xFFFFFFC0]  }
0x12e: {  	v5 =	vld [tilespmem:s0+$0xFFFFFFD0]  }
0x12f: {  	v6 =	vld [tilespmem:s0+$0xFFFFFFE0]  }
0x130: {  	v7 =	vld [tilespmem:s0+$0xFFFFFFF0]  }
0x131: {  	v8 =	vld [tilespmem:s0+$0xFFFFFF90]  }
0x132: {  	v9 =	vld.idx.msk [tilespmem:v0+s5+$0x0], $0xffff  }
0x133: {  	v10 =	vld.idx.msk [tilespmem:v1+s5+$0x0], $0xffff  }
0x134: {  	v4 =	vld.idx.msk [tilespmem:v2+s5+$0x0], $0xffff  }
0x135: {  	v3 =	vld.idx.msk [tilespmem:v3+s5+$0x0], $0xffff  }
0x136: {  	v0 =	vld.idx.msk [tilespmem:v5+s5+$0x0], $0xffff  }
0x137: {  	s29 =	simm.s32 $0x1C740;
	v1 =	vld.idx.msk [tilespmem:v6+s5+$0x0], $0xffff  }
0x138: {  	v2 =	vld.idx.msk [tilespmem:v7+s5+$0x0], $0xffff;
	[tilespmem:s29+$0x30] =	vst v9  }
0x139: {  	s31 =	simm.s32 $0x0;
	s30 =	sadd.s32 s28, s12;
	s0 =	simm.s32 $0x1A7F0;
	v5 =	vld.idx.msk [tilespmem:v8+s5+$0x0], $0xffff;
	[tilespmem:s29+$0xFFFFFFD0] =	vst v10  }
.LBB2_15:
0x13a: {  	v6 =	vld [tilespmem:s0+$0x0];
	s31 =	sadd.s32 $0x8, s31;
	[tilespmem:s29+$0xFFFFFFE0] =	vst v4  }
0x13b: {  	v4 =	vld [tilespmem:s0+$0xFFFFFFA0];
	p0 =	slt.u32 s31, $0xF8;
	[tilespmem:s29+$0xFFFFFFF0] =	vst v3  }
0x13c: {  	v3 =	vld [tilespmem:s0+$0xFFFFFFB0];
	[tilespmem:s29+$0x0] =	vst v0  }
0x13d: {  	v0 =	vld [tilespmem:s0+$0xFFFFFFC0];
	[tilespmem:s29+$0x10] =	vst v1  }
0x13e: {  	v1 =	vld [tilespmem:s0+$0xFFFFFFD0];
	[tilespmem:s29+$0x20] =	vst v2  }
0x13f: {  	v2 =	vld [tilespmem:s0+$0xFFFFFFE0];
	[tilespmem:s29+$0xFFFFFFC0] =	vst v5  }
0x140: {  	v5 =	vld [tilespmem:s0+$0xFFFFFFF0]  }
0x141: {  	v7 =	vld [tilespmem:s0+$0xFFFFFF90]  }
0x142: {  	v6 =	vld.idx.msk [tilespmem:v6+s5+$0x0], $0xffff  }
0x143: {  	v8 =	vld.idx.msk [tilespmem:v4+s5+$0x0], $0xffff  }
0x144: {  	v4 =	vld.idx.msk [tilespmem:v3+s5+$0x0], $0xffff  }
.Ltmp6:
0x145: {  	v3 =	vld.idx.msk [tilespmem:v0+s5+$0x0], $0xffff;
	(pc) =	sbr.rel @p0 .LBB2_15-.Ltmp6, $4  }
0x146: {  	v0 =	vld.idx.msk [tilespmem:v1+s5+$0x0], $0xffff  }
0x147: {  	s29 =	sadd.s32 $0x80, s29;
	v1 =	vld.idx.msk [tilespmem:v2+s5+$0x0], $0xffff  }
0x148: {  	v2 =	vld.idx.msk [tilespmem:v5+s5+$0x0], $0xffff;
	[tilespmem:s29+$0x30] =	vst v6  }
0x149: {  	s0 =	sadd.s32 $0x80, s0;
	v5 =	vld.idx.msk [tilespmem:v7+s5+$0x0], $0xffff;
	[tilespmem:s29+$0xFFFFFFD0] =	vst v8  }
0x14a: {  	[tilespmem:s29+$0xFFFFFFE0] =	vst v4  }
0x14b: {  	[tilespmem:s29+$0xFFFFFFF0] =	vst v3  }
0x14c: {  	[tilespmem:s29+$0x0] =	vst v0  }
0x14d: {  	[tilespmem:s29+$0x10] =	vst v1  }
0x14e: {  	[tilespmem:s29+$0x20] =	vst v2  }
0x14f: {  	[tilespmem:s29+$0xFFFFFFC0] =	vst v5  }
0x150: {  	[hbm4b:s30+s17] =	stream.strided.scatter [tilespmem:s21], [sflag:$0x1], $0x1000, s18, s17, $0x38;
	[tilespmem:$0x1E700] =	vst v63  }
0x151: {  	_ =	swait.ge [sflag:s24], $0x1000  }
0x152: {  	[sflag:s24] =	ssyncset.done $0x0  }
0x153: {  	s0 =	simm.s32 $0x1B770;
	[sflag:s24] =	ssyncadd.s32 $0xFFFFF000  }
0x154: {  	v0 =	vld [tilespmem:s0+$0x0]  }
0x155: {  	v1 =	vld [tilespmem:s0+$0xFFFFFFA0]  }
0x156: {  	v2 =	vld [tilespmem:s0+$0xFFFFFFB0]  }
0x157: {  	v3 =	vld [tilespmem:s0+$0xFFFFFFC0]  }
0x158: {  	v5 =	vld [tilespmem:s0+$0xFFFFFFD0]  }
0x159: {  	v6 =	vld [tilespmem:s0+$0xFFFFFFE0]  }
0x15a: {  	v7 =	vld [tilespmem:s0+$0xFFFFFFF0]  }
0x15b: {  	v8 =	vld [tilespmem:s0+$0xFFFFFF90]  }
0x15c: {  	v9 =	vld.idx.msk [tilespmem:v0+s5+$0x0], $0xffff  }
0x15d: {  	v10 =	vld.idx.msk [tilespmem:v1+s5+$0x0], $0xffff  }
0x15e: {  	v4 =	vld.idx.msk [tilespmem:v2+s5+$0x0], $0xffff  }
0x15f: {  	v3 =	vld.idx.msk [tilespmem:v3+s5+$0x0], $0xffff  }
0x160: {  	v0 =	vld.idx.msk [tilespmem:v5+s5+$0x0], $0xffff  }
0x161: {  	s29 =	simm.s32 $0x1D740;
	v1 =	vld.idx.msk [tilespmem:v6+s5+$0x0], $0xffff  }
0x162: {  	v2 =	vld.idx.msk [tilespmem:v7+s5+$0x0], $0xffff;
	[tilespmem:s29+$0x30] =	vst v9  }
0x163: {  	s28 =	sadd.s32 s28, s13;
	s30 =	simm.s32 $0x0;
	s0 =	simm.s32 $0x1B7F0;
	v5 =	vld.idx.msk [tilespmem:v8+s5+$0x0], $0xffff;
	[tilespmem:s29+$0xFFFFFFD0] =	vst v10  }
.LBB2_17:
0x164: {  	v6 =	vld [tilespmem:s0+$0x0];
	s30 =	sadd.s32 $0x8, s30;
	[tilespmem:s29+$0xFFFFFFE0] =	vst v4  }
0x165: {  	v4 =	vld [tilespmem:s0+$0xFFFFFFA0];
	p0 =	slt.u32 s30, $0xF8;
	[tilespmem:s29+$0xFFFFFFF0] =	vst v3  }
0x166: {  	v3 =	vld [tilespmem:s0+$0xFFFFFFB0];
	[tilespmem:s29+$0x0] =	vst v0  }
0x167: {  	v0 =	vld [tilespmem:s0+$0xFFFFFFC0];
	[tilespmem:s29+$0x10] =	vst v1  }
0x168: {  	v1 =	vld [tilespmem:s0+$0xFFFFFFD0];
	[tilespmem:s29+$0x20] =	vst v2  }
0x169: {  	v2 =	vld [tilespmem:s0+$0xFFFFFFE0];
	[tilespmem:s29+$0xFFFFFFC0] =	vst v5  }
0x16a: {  	v5 =	vld [tilespmem:s0+$0xFFFFFFF0]  }
0x16b: {  	v7 =	vld [tilespmem:s0+$0xFFFFFF90]  }
0x16c: {  	v6 =	vld.idx.msk [tilespmem:v6+s5+$0x0], $0xffff  }
0x16d: {  	v8 =	vld.idx.msk [tilespmem:v4+s5+$0x0], $0xffff  }
0x16e: {  	v4 =	vld.idx.msk [tilespmem:v3+s5+$0x0], $0xffff  }
.Ltmp7:
0x16f: {  	v3 =	vld.idx.msk [tilespmem:v0+s5+$0x0], $0xffff;
	(pc) =	sbr.rel @p0 .LBB2_17-.Ltmp7, $4  }
0x170: {  	v0 =	vld.idx.msk [tilespmem:v1+s5+$0x0], $0xffff  }
0x171: {  	s29 =	sadd.s32 $0x80, s29;
	v1 =	vld.idx.msk [tilespmem:v2+s5+$0x0], $0xffff  }
0x172: {  	v2 =	vld.idx.msk [tilespmem:v5+s5+$0x0], $0xffff;
	[tilespmem:s29+$0x30] =	vst v6  }
0x173: {  	s0 =	sadd.s32 $0x80, s0;
	v5 =	vld.idx.msk [tilespmem:v7+s5+$0x0], $0xffff;
	[tilespmem:s29+$0xFFFFFFD0] =	vst v8  }
0x174: {  	[tilespmem:s29+$0xFFFFFFE0] =	vst v4;
	s26 =	sadd.s32 $0x1, s26  }
0x175: {  	[tilespmem:s29+$0xFFFFFFF0] =	vst v3;
	p0 =	sne.s32 s26, $0x1A  }
.Ltmp8:
0x176: {  	[tilespmem:s29+$0x0] =	vst v0;
	(pc) =	sbr.rel @p0 .LBB2_10-.Ltmp8, $4  }
0x177: {  	[tilespmem:s29+$0x10] =	vst v1  }
0x178: {  	[tilespmem:s29+$0x20] =	vst v2  }
0x179: {  	[tilespmem:s29+$0xFFFFFFC0] =	vst v5  }
0x17a: {  	[hbm4b:s28+s17] =	stream.strided.scatter [tilespmem:s22], [sflag:$0x2], $0x1000, s18, s17, $0x38;
	[tilespmem:$0x1E700] =	vst v63  }
0x17b: {  	s25 =	sadd.s32 $0x1, s25  }
0x17c: {  	_ =	swait.ge [sflag:s23], $0x1000;
	p0 =	sne.s32 s25, s16  }
.Ltmp9:
0x17d: {  	[sflag:s23] =	ssyncset.done $0x0;
	(pc) =	sbr.rel @p0 .LBB2_1-.Ltmp9, $4  }
0x17e: {  	[sflag:s23] =	ssyncadd.s32 $0xFFFFF000  }
0x17f: {  	_ =	swait.ge [sflag:s24], $0x1000  }
0x180: {  	[sflag:s24] =	ssyncset.done $0x0  }
0x181: {  	[sflag:s24] =	ssyncadd.s32 $0xFFFFF000  }
0x182: {  	_ =	sfence.sel $0x180000  }
0x183: {  	[bflag:$0x0] =	sbarrier.arrive $0xFFFF  }
0x184: {  	_ =	strace $0x90000047  }
0x185: {  	s0 =	stileid.u32;
	[bflag:$0x2] =	sbarrier.arrive $0xFFFF  }
0x186: {  	p0 =	sne.s32 s0, $0x0;
	s0 =	rddreg [dreg:$0x3]  }
0x187: {  	s0 =	sadd.s32 @!p0 $0x100000, s0  }
0x188: {  	[sflag:s0] =	ssyncadd.tile.s32 @!p0 $0x1;
	_ =	shalt  }
.Lfunc_end2:
_tile_overlayer_lowered:
.L_overlay_start_2:
0x189: {  	(tag) =	ssettag $0x2  }
0x18a: {  	s0 =	rddreg [dreg:$0x0];
	s2 =	stileid.u32  }
0x18b: {  	s1 =	rddreg [dreg:$0x1];
	p0 =	sne.s32 s2, $0x0  }
0x18c: {  	s3 =	rddreg [dreg:$0x2];
	[bflag:$0x3] =	sbarrier.arrive $0xFFFF;
	s2 =	simm.s32 @!p0 $0x1C03  }
0x18d: {  	[timem:s3], [sflag:s2] =	dma.local @!p0 [hbm:s0], s1  }
0x18e: {  	s0 =	simm.s32 @!p0 $0x3  }
0x18f: {  	_ =	swait.ge @!p0 [sflag:s0], s1  }
0x190: {  	s1 =	ssub.s32 @!p0 $0x0, s1;
	[sflag:s0] =	ssyncset.done @!p0 $0x0  }
0x191: {  	[sflag:s0] =	ssyncadd.s32 @!p0 s1  }
0x192: {  	[bflag:$0x3] =	sbarrier.arrive $0xFFFF  }
0x193: {  	_ =	shalt  }

</sc_bundles>
